<compile_context>
chip_gen: v7x
topology: tpu7x:2x2x1
jax: 0.10.2.dev20260603
libtpu: 0.0.44.dev20260713+nightly
codegen_flags: <defaults>
</compile_context>

<pallas_src>
import functools

import jax
import jax.numpy as jnp
from jax import lax
from jax.experimental import pallas as pl
from jax.experimental.pallas import tpu as pltpu
from jax.experimental.pallas import tpu_sc as plsc

BATCH = 1024
SEQ = 200
NUM_TOKENS = 100000
EMBED_DIM = 128

N = BATCH * SEQ
NW = 32
PER_W = N // NW
CHUNK = 64
NCHUNK = PER_W // CHUNK
NBUF = 10
NGRP = NCHUNK // NBUF

_mesh = plsc.VectorSubcoreMesh(core_axis_name="c", subcore_axis_name="s")


@functools.partial(
    pl.kernel,
    out_type=jax.ShapeDtypeStruct((N, EMBED_DIM), jnp.float32),
    mesh=_mesh,
    scratch_types=[
        pltpu.VMEM((PER_W,), jnp.int32),
        [pltpu.VMEM((CHUNK, EMBED_DIM), jnp.float32) for _ in range(NBUF)],
        [pltpu.SemaphoreType.DMA for _ in range(NBUF)],
        [pltpu.SemaphoreType.DMA for _ in range(NBUF)],
    ],
)
def _gather_kernel(table_hbm, idx_hbm, out_hbm, idx_v, bufs, gsems, ssems):
    wid = lax.axis_index("s") * 2 + lax.axis_index("c")
    base = wid * PER_W
    pltpu.sync_copy(idx_hbm.at[pl.ds(base, PER_W)], idx_v)

    def start_gather(j, b):
        idx_slice = idx_v.at[pl.ds(j * CHUNK, CHUNK)]
        pltpu.async_copy(table_hbm.at[idx_slice], bufs[b], gsems[b])

    def wait_gather(b):
        pltpu.make_async_copy(table_hbm.at[idx_v.at[pl.ds(0, CHUNK)]],
                              bufs[b], gsems[b]).wait()

    def start_store(j, b):
        pltpu.async_copy(bufs[b], out_hbm.at[pl.ds(base + j * CHUNK, CHUNK)],
                         ssems[b])

    def wait_store(b):
        pltpu.make_async_copy(bufs[b], out_hbm.at[pl.ds(base, CHUNK)],
                              ssems[b]).wait()

    for b in range(NBUF):
        start_gather(b, b)

    def body(g, _):
        for b in range(NBUF):
            wait_gather(b)
            start_store(g * NBUF + b, b)
        for b in range(NBUF):
            wait_store(b)
            start_gather((g + 1) * NBUF + b, b)
        return 0

    lax.fori_loop(0, NGRP - 1, body, 0)

    for b in range(NBUF):
        wait_gather(b)
        start_store((NGRP - 1) * NBUF + b, b)
    for b in range(NBUF):
        wait_store(b)


def kernel(x, embedding):
    x_flat = x.reshape(N).astype(jnp.int32)
    out = _gather_kernel(embedding, x_flat)
    return out.reshape(BATCH, SEQ, EMBED_DIM)

# --- scband reference (transcript-rebuilt; emitter-appended) ---
"""Pipeline reference for scband-token-embedding-13597866459902 (READ-ONLY COPY).

The authoritative reference and input builder live on the scoring server;
editing this copy changes nothing except your own understanding.
"""

import jax, jax.numpy as jnp
import numpy as np

NUM_TOKENS = 100000
EMBED_DIM = 128
BATCH = 1024
SEQ = 200


def setup_inputs(seed: int = 0) -> dict:
    key = jax.random.key(seed)
    k_idx, k_emb = jax.random.split(key)
    x = jax.random.randint(k_idx, (BATCH, SEQ), 0, NUM_TOKENS, dtype=jnp.int64 if jax.config.jax_enable_x64 else jnp.int32)
    embedding = 0.02 * jax.random.normal(k_emb, (NUM_TOKENS, EMBED_DIM), dtype=jnp.float32)
    return {"x": x, "embedding": embedding}


def reference(x, embedding):
    # Faithful translation of TokenEmbedding.forward: self.embedding[x]
    return jnp.take(embedding, x, axis=0)

if __name__ == "__main__":
    import jax
    _d = setup_inputs()
    print(jax.jit(kernel)(*tuple(_d.values())))

</pallas_src>

<mosaic_0001>
#map = affine_map<(d0, d1) -> (0, 0)>
#map1 = affine_map<(d0, d1) -> (0)>
module attributes {stable_mosaic.version = 14 : i64} {
  func.func @_gather_kernel(%arg0: i32, %arg1: i32, %arg2: memref<100000x128xf32, #tpu.memory_space<hbm>>, %arg3: memref<204800xi32, #tpu.memory_space<hbm>>, %arg4: memref<204800x128xf32, #tpu.memory_space<hbm>>, %arg5: memref<6400xi32, #tpu.memory_space<vmem>>, %arg6: memref<64x128xf32, #tpu.memory_space<vmem>>, %arg7: memref<64x128xf32, #tpu.memory_space<vmem>>, %arg8: memref<64x128xf32, #tpu.memory_space<vmem>>, %arg9: memref<64x128xf32, #tpu.memory_space<vmem>>, %arg10: memref<64x128xf32, #tpu.memory_space<vmem>>, %arg11: memref<64x128xf32, #tpu.memory_space<vmem>>, %arg12: memref<64x128xf32, #tpu.memory_space<vmem>>, %arg13: memref<64x128xf32, #tpu.memory_space<vmem>>, %arg14: memref<64x128xf32, #tpu.memory_space<vmem>>, %arg15: memref<64x128xf32, #tpu.memory_space<vmem>>, %arg16: memref<!tpu.dma_semaphore, #tpu.memory_space<semaphore_mem>>, %arg17: memref<!tpu.dma_semaphore, #tpu.memory_space<semaphore_mem>>, %arg18: memref<!tpu.dma_semaphore, #tpu.memory_space<semaphore_mem>>, %arg19: memref<!tpu.dma_semaphore, #tpu.memory_space<semaphore_mem>>, %arg20: memref<!tpu.dma_semaphore, #tpu.memory_space<semaphore_mem>>, %arg21: memref<!tpu.dma_semaphore, #tpu.memory_space<semaphore_mem>>, %arg22: memref<!tpu.dma_semaphore, #tpu.memory_space<semaphore_mem>>, %arg23: memref<!tpu.dma_semaphore, #tpu.memory_space<semaphore_mem>>, %arg24: memref<!tpu.dma_semaphore, #tpu.memory_space<semaphore_mem>>, %arg25: memref<!tpu.dma_semaphore, #tpu.memory_space<semaphore_mem>>, %arg26: memref<!tpu.dma_semaphore, #tpu.memory_space<semaphore_mem>>, %arg27: memref<!tpu.dma_semaphore, #tpu.memory_space<semaphore_mem>>, %arg28: memref<!tpu.dma_semaphore, #tpu.memory_space<semaphore_mem>>, %arg29: memref<!tpu.dma_semaphore, #tpu.memory_space<semaphore_mem>>, %arg30: memref<!tpu.dma_semaphore, #tpu.memory_space<semaphore_mem>>, %arg31: memref<!tpu.dma_semaphore, #tpu.memory_space<semaphore_mem>>, %arg32: memref<!tpu.dma_semaphore, #tpu.memory_space<semaphore_mem>>, %arg33: memref<!tpu.dma_semaphore, #tpu.memory_space<semaphore_mem>>, %arg34: memref<!tpu.dma_semaphore, #tpu.memory_space<semaphore_mem>>, %arg35: memref<!tpu.dma_semaphore, #tpu.memory_space<semaphore_mem>>) attributes {dimension_semantics = [#tpu.dimension_semantics<core_parallel>, #tpu.dimension_semantics<subcore_parallel>], iteration_bounds = array<i64: 2, 16>, scalar_prefetch = 0 : i64, scratch_operands = 31 : i64, tpu.core_type = #tpu.core_type<sc_vector_subcore>, window_params = [{transform_indices = #map}, {transform_indices = #map1}, {transform_indices = #map}]} {
    %mul3A = arith.constant 2 : i32
    %mul3A_0 = arith.muli %arg1, %mul3A : i32
    %add3A = arith.addi %mul3A_0, %arg0 : i32
    %mul3A_1 = arith.constant 6400 : i32
    %mul3A_2 = arith.muli %add3A, %mul3A_1 : i32
    "tpu.region"() ({
      %run_scoped3A = tpu.sem_alloc : memref<!tpu.dma_semaphore, #tpu.memory_space<semaphore_mem>>
      %dma_start3A_207 = tpu.memref_slice %arg3[%mul3A_2] : memref<204800xi32, #tpu.memory_space<hbm>> -> memref<6400xi32, #tpu.memory_space<hbm>>
      %dma_start3A_208 = tpu.memref_slice %arg3[%mul3A_2] : memref<204800xi32, #tpu.memory_space<hbm>> -> memref<6400xi32, #tpu.memory_space<hbm>>
      tpu.enqueue_dma source(%dma_start3A_208 : memref<6400xi32, #tpu.memory_space<hbm>>) target(%arg5 : memref<6400xi32, #tpu.memory_space<vmem>>) target_semaphore(%run_scoped3A : memref<!tpu.dma_semaphore, #tpu.memory_space<semaphore_mem>>)
      %dma_wait3A_209 = tpu.memref_slice %arg3[%mul3A_2] : memref<204800xi32, #tpu.memory_space<hbm>> -> memref<6400xi32, #tpu.memory_space<hbm>>
      %dma_wait3A_210 = tpu.memref_slice %arg3[%mul3A_2] : memref<204800xi32, #tpu.memory_space<hbm>> -> memref<6400xi32, #tpu.memory_space<hbm>>
      tpu.wait_dma2 semaphore(%run_scoped3A : memref<!tpu.dma_semaphore, #tpu.memory_space<semaphore_mem>>) src(%dma_wait3A_210 : memref<6400xi32, #tpu.memory_space<hbm>>) dst(%arg5 : memref<6400xi32, #tpu.memory_space<vmem>>)
      tpu.yield
    }) : () -> ()
    %dma_start3A = arith.constant 0 : i32
    %dma_start3A_3 = tpu.memref_slice %arg5[%dma_start3A] : memref<6400xi32, #tpu.memory_space<vmem>> -> memref<64xi32, #tpu.memory_space<vmem>>
    %dma_start3A_4 = arith.constant 0 : i32
    %dma_start3A_5 = arith.constant 0 : i32
    %dma_start3A_6 = tpu.memref_slice %arg2[%dma_start3A_4, %dma_start3A_5] : memref<100000x128xf32, #tpu.memory_space<hbm>> -> memref<100000x128xf32, #tpu.memory_space<hbm>>
    tpu.enqueue_indirect_dma source(%dma_start3A_6 : memref<100000x128xf32, #tpu.memory_space<hbm>>) target(%arg6 : memref<64x128xf32, #tpu.memory_space<vmem>>) offsets(%dma_start3A_3 : memref<64xi32, #tpu.memory_space<vmem>>) semaphore(%arg16 : memref<!tpu.dma_semaphore, #tpu.memory_space<semaphore_mem>>)
    %dma_start3A_7 = arith.constant 64 : i32
    %dma_start3A_8 = tpu.memref_slice %arg5[%dma_start3A_7] : memref<6400xi32, #tpu.memory_space<vmem>> -> memref<64xi32, #tpu.memory_space<vmem>>
    %dma_start3A_9 = arith.constant 0 : i32
    %dma_start3A_10 = arith.constant 0 : i32
    %dma_start3A_11 = tpu.memref_slice %arg2[%dma_start3A_9, %dma_start3A_10] : memref<100000x128xf32, #tpu.memory_space<hbm>> -> memref<100000x128xf32, #tpu.memory_space<hbm>>
    tpu.enqueue_indirect_dma source(%dma_start3A_11 : memref<100000x128xf32, #tpu.memory_space<hbm>>) target(%arg7 : memref<64x128xf32, #tpu.memory_space<vmem>>) offsets(%dma_start3A_8 : memref<64xi32, #tpu.memory_space<vmem>>) semaphore(%arg17 : memref<!tpu.dma_semaphore, #tpu.memory_space<semaphore_mem>>)
    %dma_start3A_12 = arith.constant 128 : i32
    %dma_start3A_13 = tpu.memref_slice %arg5[%dma_start3A_12] : memref<6400xi32, #tpu.memory_space<vmem>> -> memref<64xi32, #tpu.memory_space<vmem>>
    %dma_start3A_14 = arith.constant 0 : i32
    %dma_start3A_15 = arith.constant 0 : i32
    %dma_start3A_16 = tpu.memref_slice %arg2[%dma_start3A_14, %dma_start3A_15] : memref<100000x128xf32, #tpu.memory_space<hbm>> -> memref<100000x128xf32, #tpu.memory_space<hbm>>
    tpu.enqueue_indirect_dma source(%dma_start3A_16 : memref<100000x128xf32, #tpu.memory_space<hbm>>) target(%arg8 : memref<64x128xf32, #tpu.memory_space<vmem>>) offsets(%dma_start3A_13 : memref<64xi32, #tpu.memory_space<vmem>>) semaphore(%arg18 : memref<!tpu.dma_semaphore, #tpu.memory_space<semaphore_mem>>)
    %dma_start3A_17 = arith.constant 192 : i32
    %dma_start3A_18 = tpu.memref_slice %arg5[%dma_start3A_17] : memref<6400xi32, #tpu.memory_space<vmem>> -> memref<64xi32, #tpu.memory_space<vmem>>
    %dma_start3A_19 = arith.constant 0 : i32
    %dma_start3A_20 = arith.constant 0 : i32
    %dma_start3A_21 = tpu.memref_slice %arg2[%dma_start3A_19, %dma_start3A_20] : memref<100000x128xf32, #tpu.memory_space<hbm>> -> memref<100000x128xf32, #tpu.memory_space<hbm>>
    tpu.enqueue_indirect_dma source(%dma_start3A_21 : memref<100000x128xf32, #tpu.memory_space<hbm>>) target(%arg9 : memref<64x128xf32, #tpu.memory_space<vmem>>) offsets(%dma_start3A_18 : memref<64xi32, #tpu.memory_space<vmem>>) semaphore(%arg19 : memref<!tpu.dma_semaphore, #tpu.memory_space<semaphore_mem>>)
    %dma_start3A_22 = arith.constant 256 : i32
    %dma_start3A_23 = tpu.memref_slice %arg5[%dma_start3A_22] : memref<6400xi32, #tpu.memory_space<vmem>> -> memref<64xi32, #tpu.memory_space<vmem>>
    %dma_start3A_24 = arith.constant 0 : i32
    %dma_start3A_25 = arith.constant 0 : i32
    %dma_start3A_26 = tpu.memref_slice %arg2[%dma_start3A_24, %dma_start3A_25] : memref<100000x128xf32, #tpu.memory_space<hbm>> -> memref<100000x128xf32, #tpu.memory_space<hbm>>
    tpu.enqueue_indirect_dma source(%dma_start3A_26 : memref<100000x128xf32, #tpu.memory_space<hbm>>) target(%arg10 : memref<64x128xf32, #tpu.memory_space<vmem>>) offsets(%dma_start3A_23 : memref<64xi32, #tpu.memory_space<vmem>>) semaphore(%arg20 : memref<!tpu.dma_semaphore, #tpu.memory_space<semaphore_mem>>)
    %dma_start3A_27 = arith.constant 320 : i32
    %dma_start3A_28 = tpu.memref_slice %arg5[%dma_start3A_27] : memref<6400xi32, #tpu.memory_space<vmem>> -> memref<64xi32, #tpu.memory_space<vmem>>
    %dma_start3A_29 = arith.constant 0 : i32
    %dma_start3A_30 = arith.constant 0 : i32
    %dma_start3A_31 = tpu.memref_slice %arg2[%dma_start3A_29, %dma_start3A_30] : memref<100000x128xf32, #tpu.memory_space<hbm>> -> memref<100000x128xf32, #tpu.memory_space<hbm>>
    tpu.enqueue_indirect_dma source(%dma_start3A_31 : memref<100000x128xf32, #tpu.memory_space<hbm>>) target(%arg11 : memref<64x128xf32, #tpu.memory_space<vmem>>) offsets(%dma_start3A_28 : memref<64xi32, #tpu.memory_space<vmem>>) semaphore(%arg21 : memref<!tpu.dma_semaphore, #tpu.memory_space<semaphore_mem>>)
    %dma_start3A_32 = arith.constant 384 : i32
    %dma_start3A_33 = tpu.memref_slice %arg5[%dma_start3A_32] : memref<6400xi32, #tpu.memory_space<vmem>> -> memref<64xi32, #tpu.memory_space<vmem>>
    %dma_start3A_34 = arith.constant 0 : i32
    %dma_start3A_35 = arith.constant 0 : i32
    %dma_start3A_36 = tpu.memref_slice %arg2[%dma_start3A_34, %dma_start3A_35] : memref<100000x128xf32, #tpu.memory_space<hbm>> -> memref<100000x128xf32, #tpu.memory_space<hbm>>
    tpu.enqueue_indirect_dma source(%dma_start3A_36 : memref<100000x128xf32, #tpu.memory_space<hbm>>) target(%arg12 : memref<64x128xf32, #tpu.memory_space<vmem>>) offsets(%dma_start3A_33 : memref<64xi32, #tpu.memory_space<vmem>>) semaphore(%arg22 : memref<!tpu.dma_semaphore, #tpu.memory_space<semaphore_mem>>)
    %dma_start3A_37 = arith.constant 448 : i32
    %dma_start3A_38 = tpu.memref_slice %arg5[%dma_start3A_37] : memref<6400xi32, #tpu.memory_space<vmem>> -> memref<64xi32, #tpu.memory_space<vmem>>
    %dma_start3A_39 = arith.constant 0 : i32
    %dma_start3A_40 = arith.constant 0 : i32
    %dma_start3A_41 = tpu.memref_slice %arg2[%dma_start3A_39, %dma_start3A_40] : memref<100000x128xf32, #tpu.memory_space<hbm>> -> memref<100000x128xf32, #tpu.memory_space<hbm>>
    tpu.enqueue_indirect_dma source(%dma_start3A_41 : memref<100000x128xf32, #tpu.memory_space<hbm>>) target(%arg13 : memref<64x128xf32, #tpu.memory_space<vmem>>) offsets(%dma_start3A_38 : memref<64xi32, #tpu.memory_space<vmem>>) semaphore(%arg23 : memref<!tpu.dma_semaphore, #tpu.memory_space<semaphore_mem>>)
    %dma_start3A_42 = arith.constant 512 : i32
    %dma_start3A_43 = tpu.memref_slice %arg5[%dma_start3A_42] : memref<6400xi32, #tpu.memory_space<vmem>> -> memref<64xi32, #tpu.memory_space<vmem>>
    %dma_start3A_44 = arith.constant 0 : i32
    %dma_start3A_45 = arith.constant 0 : i32
    %dma_start3A_46 = tpu.memref_slice %arg2[%dma_start3A_44, %dma_start3A_45] : memref<100000x128xf32, #tpu.memory_space<hbm>> -> memref<100000x128xf32, #tpu.memory_space<hbm>>
    tpu.enqueue_indirect_dma source(%dma_start3A_46 : memref<100000x128xf32, #tpu.memory_space<hbm>>) target(%arg14 : memref<64x128xf32, #tpu.memory_space<vmem>>) offsets(%dma_start3A_43 : memref<64xi32, #tpu.memory_space<vmem>>) semaphore(%arg24 : memref<!tpu.dma_semaphore, #tpu.memory_space<semaphore_mem>>)
    %dma_start3A_47 = arith.constant 576 : i32
    %dma_start3A_48 = tpu.memref_slice %arg5[%dma_start3A_47] : memref<6400xi32, #tpu.memory_space<vmem>> -> memref<64xi32, #tpu.memory_space<vmem>>
    %dma_start3A_49 = arith.constant 0 : i32
    %dma_start3A_50 = arith.constant 0 : i32
    %dma_start3A_51 = tpu.memref_slice %arg2[%dma_start3A_49, %dma_start3A_50] : memref<100000x128xf32, #tpu.memory_space<hbm>> -> memref<100000x128xf32, #tpu.memory_space<hbm>>
    tpu.enqueue_indirect_dma source(%dma_start3A_51 : memref<100000x128xf32, #tpu.memory_space<hbm>>) target(%arg15 : memref<64x128xf32, #tpu.memory_space<vmem>>) offsets(%dma_start3A_48 : memref<64xi32, #tpu.memory_space<vmem>>) semaphore(%arg25 : memref<!tpu.dma_semaphore, #tpu.memory_space<semaphore_mem>>)
    %scan3A = arith.constant 0 : i32
    %scan3A_52 = arith.constant 0 : i32
    %scan3A_53 = arith.constant 9 : i32
    %scan3A_54 = arith.addi %scan3A_52, %scan3A_53 : i32
    %scan3A_55 = arith.constant 1 : i32
    %scan3A_56 = scf.for %scan3A_207 = %scan3A_52 to %scan3A_54 step %scan3A_55 iter_args(%scan3A_208 = %scan3A) -> (i32)  : i32 {
      %dma_wait3A_209 = arith.constant 0 : i32
      %dma_wait3A_210 = tpu.memref_slice %arg5[%dma_wait3A_209] : memref<6400xi32, #tpu.memory_space<vmem>> -> memref<64xi32, #tpu.memory_space<vmem>>
      %dma_wait3A_211 = arith.constant 0 : i32
      %dma_wait3A_212 = arith.constant 0 : i32
      %dma_wait3A_213 = tpu.memref_slice %arg2[%dma_wait3A_211, %dma_wait3A_212] : memref<100000x128xf32, #tpu.memory_space<hbm>> -> memref<100000x128xf32, #tpu.memory_space<hbm>>
      tpu.wait_indirect_dma semaphore(%arg16 : memref<!tpu.dma_semaphore, #tpu.memory_space<semaphore_mem>>) src(%dma_wait3A_213 : memref<100000x128xf32, #tpu.memory_space<hbm>>) dst(%arg6 : memref<64x128xf32, #tpu.memory_space<vmem>>)
      %mul3A_214 = arith.constant 10 : i32
      %mul3A_215 = arith.muli %scan3A_207, %mul3A_214 : i32
      %add3A_216 = arith.constant 0 : i32
      %add3A_217 = arith.addi %mul3A_215, %add3A_216 : i32
      %mul3A_218 = arith.constant 64 : i32
      %mul3A_219 = arith.muli %add3A_217, %mul3A_218 : i32
      %add3A_220 = arith.addi %mul3A_2, %mul3A_219 : i32
      %dma_start3A_221 = arith.constant 0 : i32
      %dma_start3A_222 = tpu.memref_slice %arg4[%add3A_220, %dma_start3A_221] : memref<204800x128xf32, #tpu.memory_space<hbm>> -> memref<64x128xf32, #tpu.memory_space<hbm>>
      %dma_start3A_223 = arith.constant 0 : i32
      %dma_start3A_224 = tpu.memref_slice %arg4[%add3A_220, %dma_start3A_223] : memref<204800x128xf32, #tpu.memory_space<hbm>> -> memref<64x128xf32, #tpu.memory_space<hbm>>
      tpu.enqueue_dma source(%arg6 : memref<64x128xf32, #tpu.memory_space<vmem>>) target(%dma_start3A_224 : memref<64x128xf32, #tpu.memory_space<hbm>>) target_semaphore(%arg26 : memref<!tpu.dma_semaphore, #tpu.memory_space<semaphore_mem>>)
      %dma_wait3A_225 = arith.constant 0 : i32
      %dma_wait3A_226 = tpu.memref_slice %arg5[%dma_wait3A_225] : memref<6400xi32, #tpu.memory_space<vmem>> -> memref<64xi32, #tpu.memory_space<vmem>>
      %dma_wait3A_227 = arith.constant 0 : i32
      %dma_wait3A_228 = arith.constant 0 : i32
      %dma_wait3A_229 = tpu.memref_slice %arg2[%dma_wait3A_227, %dma_wait3A_228] : memref<100000x128xf32, #tpu.memory_space<hbm>> -> memref<100000x128xf32, #tpu.memory_space<hbm>>
      tpu.wait_indirect_dma semaphore(%arg17 : memref<!tpu.dma_semaphore, #tpu.memory_space<semaphore_mem>>) src(%dma_wait3A_229 : memref<100000x128xf32, #tpu.memory_space<hbm>>) dst(%arg7 : memref<64x128xf32, #tpu.memory_space<vmem>>)
      %mul3A_230 = arith.constant 10 : i32
      %mul3A_231 = arith.muli %scan3A_207, %mul3A_230 : i32
      %add3A_232 = arith.constant 1 : i32
      %add3A_233 = arith.addi %mul3A_231, %add3A_232 : i32
      %mul3A_234 = arith.constant 64 : i32
      %mul3A_235 = arith.muli %add3A_233, %mul3A_234 : i32
      %add3A_236 = arith.addi %mul3A_2, %mul3A_235 : i32
      %dma_start3A_237 = arith.constant 0 : i32
      %dma_start3A_238 = tpu.memref_slice %arg4[%add3A_236, %dma_start3A_237] : memref<204800x128xf32, #tpu.memory_space<hbm>> -> memref<64x128xf32, #tpu.memory_space<hbm>>
      %dma_start3A_239 = arith.constant 0 : i32
      %dma_start3A_240 = tpu.memref_slice %arg4[%add3A_236, %dma_start3A_239] : memref<204800x128xf32, #tpu.memory_space<hbm>> -> memref<64x128xf32, #tpu.memory_space<hbm>>
      tpu.enqueue_dma source(%arg7 : memref<64x128xf32, #tpu.memory_space<vmem>>) target(%dma_start3A_240 : memref<64x128xf32, #tpu.memory_space<hbm>>) target_semaphore(%arg27 : memref<!tpu.dma_semaphore, #tpu.memory_space<semaphore_mem>>)
      %dma_wait3A_241 = arith.constant 0 : i32
      %dma_wait3A_242 = tpu.memref_slice %arg5[%dma_wait3A_241] : memref<6400xi32, #tpu.memory_space<vmem>> -> memref<64xi32, #tpu.memory_space<vmem>>
      %dma_wait3A_243 = arith.constant 0 : i32
      %dma_wait3A_244 = arith.constant 0 : i32
      %dma_wait3A_245 = tpu.memref_slice %arg2[%dma_wait3A_243, %dma_wait3A_244] : memref<100000x128xf32, #tpu.memory_space<hbm>> -> memref<100000x128xf32, #tpu.memory_space<hbm>>
      tpu.wait_indirect_dma semaphore(%arg18 : memref<!tpu.dma_semaphore, #tpu.memory_space<semaphore_mem>>) src(%dma_wait3A_245 : memref<100000x128xf32, #tpu.memory_space<hbm>>) dst(%arg8 : memref<64x128xf32, #tpu.memory_space<vmem>>)
      %mul3A_246 = arith.constant 10 : i32
      %mul3A_247 = arith.muli %scan3A_207, %mul3A_246 : i32
      %add3A_248 = arith.constant 2 : i32
      %add3A_249 = arith.addi %mul3A_247, %add3A_248 : i32
      %mul3A_250 = arith.constant 64 : i32
      %mul3A_251 = arith.muli %add3A_249, %mul3A_250 : i32
      %add3A_252 = arith.addi %mul3A_2, %mul3A_251 : i32
      %dma_start3A_253 = arith.constant 0 : i32
      %dma_start3A_254 = tpu.memref_slice %arg4[%add3A_252, %dma_start3A_253] : memref<204800x128xf32, #tpu.memory_space<hbm>> -> memref<64x128xf32, #tpu.memory_space<hbm>>
      %dma_start3A_255 = arith.constant 0 : i32
      %dma_start3A_256 = tpu.memref_slice %arg4[%add3A_252, %dma_start3A_255] : memref<204800x128xf32, #tpu.memory_space<hbm>> -> memref<64x128xf32, #tpu.memory_space<hbm>>
      tpu.enqueue_dma source(%arg8 : memref<64x128xf32, #tpu.memory_space<vmem>>) target(%dma_start3A_256 : memref<64x128xf32, #tpu.memory_space<hbm>>) target_semaphore(%arg28 : memref<!tpu.dma_semaphore, #tpu.memory_space<semaphore_mem>>)
      %dma_wait3A_257 = arith.constant 0 : i32
      %dma_wait3A_258 = tpu.memref_slice %arg5[%dma_wait3A_257] : memref<6400xi32, #tpu.memory_space<vmem>> -> memref<64xi32, #tpu.memory_space<vmem>>
      %dma_wait3A_259 = arith.constant 0 : i32
      %dma_wait3A_260 = arith.constant 0 : i32
      %dma_wait3A_261 = tpu.memref_slice %arg2[%dma_wait3A_259, %dma_wait3A_260] : memref<100000x128xf32, #tpu.memory_space<hbm>> -> memref<100000x128xf32, #tpu.memory_space<hbm>>
      tpu.wait_indirect_dma semaphore(%arg19 : memref<!tpu.dma_semaphore, #tpu.memory_space<semaphore_mem>>) src(%dma_wait3A_261 : memref<100000x128xf32, #tpu.memory_space<hbm>>) dst(%arg9 : memref<64x128xf32, #tpu.memory_space<vmem>>)
      %mul3A_262 = arith.constant 10 : i32
      %mul3A_263 = arith.muli %scan3A_207, %mul3A_262 : i32
      %add3A_264 = arith.constant 3 : i32
      %add3A_265 = arith.addi %mul3A_263, %add3A_264 : i32
      %mul3A_266 = arith.constant 64 : i32
      %mul3A_267 = arith.muli %add3A_265, %mul3A_266 : i32
      %add3A_268 = arith.addi %mul3A_2, %mul3A_267 : i32
      %dma_start3A_269 = arith.constant 0 : i32
      %dma_start3A_270 = tpu.memref_slice %arg4[%add3A_268, %dma_start3A_269] : memref<204800x128xf32, #tpu.memory_space<hbm>> -> memref<64x128xf32, #tpu.memory_space<hbm>>
      %dma_start3A_271 = arith.constant 0 : i32
      %dma_start3A_272 = tpu.memref_slice %arg4[%add3A_268, %dma_start3A_271] : memref<204800x128xf32, #tpu.memory_space<hbm>> -> memref<64x128xf32, #tpu.memory_space<hbm>>
      tpu.enqueue_dma source(%arg9 : memref<64x128xf32, #tpu.memory_space<vmem>>) target(%dma_start3A_272 : memref<64x128xf32, #tpu.memory_space<hbm>>) target_semaphore(%arg29 : memref<!tpu.dma_semaphore, #tpu.memory_space<semaphore_mem>>)
      %dma_wait3A_273 = arith.constant 0 : i32
      %dma_wait3A_274 = tpu.memref_slice %arg5[%dma_wait3A_273] : memref<6400xi32, #tpu.memory_space<vmem>> -> memref<64xi32, #tpu.memory_space<vmem>>
      %dma_wait3A_275 = arith.constant 0 : i32
      %dma_wait3A_276 = arith.constant 0 : i32
      %dma_wait3A_277 = tpu.memref_slice %arg2[%dma_wait3A_275, %dma_wait3A_276] : memref<100000x128xf32, #tpu.memory_space<hbm>> -> memref<100000x128xf32, #tpu.memory_space<hbm>>
      tpu.wait_indirect_dma semaphore(%arg20 : memref<!tpu.dma_semaphore, #tpu.memory_space<semaphore_mem>>) src(%dma_wait3A_277 : memref<100000x128xf32, #tpu.memory_space<hbm>>) dst(%arg10 : memref<64x128xf32, #tpu.memory_space<vmem>>)
      %mul3A_278 = arith.constant 10 : i32
      %mul3A_279 = arith.muli %scan3A_207, %mul3A_278 : i32
      %add3A_280 = arith.constant 4 : i32
      %add3A_281 = arith.addi %mul3A_279, %add3A_280 : i32
      %mul3A_282 = arith.constant 64 : i32
      %mul3A_283 = arith.muli %add3A_281, %mul3A_282 : i32
      %add3A_284 = arith.addi %mul3A_2, %mul3A_283 : i32
      %dma_start3A_285 = arith.constant 0 : i32
      %dma_start3A_286 = tpu.memref_slice %arg4[%add3A_284, %dma_start3A_285] : memref<204800x128xf32, #tpu.memory_space<hbm>> -> memref<64x128xf32, #tpu.memory_space<hbm>>
      %dma_start3A_287 = arith.constant 0 : i32
      %dma_start3A_288 = tpu.memref_slice %arg4[%add3A_284, %dma_start3A_287] : memref<204800x128xf32, #tpu.memory_space<hbm>> -> memref<64x128xf32, #tpu.memory_space<hbm>>
      tpu.enqueue_dma source(%arg10 : memref<64x128xf32, #tpu.memory_space<vmem>>) target(%dma_start3A_288 : memref<64x128xf32, #tpu.memory_space<hbm>>) target_semaphore(%arg30 : memref<!tpu.dma_semaphore, #tpu.memory_space<semaphore_mem>>)
      %dma_wait3A_289 = arith.constant 0 : i32
      %dma_wait3A_290 = tpu.memref_slice %arg5[%dma_wait3A_289] : memref<6400xi32, #tpu.memory_space<vmem>> -> memref<64xi32, #tpu.memory_space<vmem>>
      %dma_wait3A_291 = arith.constant 0 : i32
      %dma_wait3A_292 = arith.constant 0 : i32
      %dma_wait3A_293 = tpu.memref_slice %arg2[%dma_wait3A_291, %dma_wait3A_292] : memref<100000x128xf32, #tpu.memory_space<hbm>> -> memref<100000x128xf32, #tpu.memory_space<hbm>>
      tpu.wait_indirect_dma semaphore(%arg21 : memref<!tpu.dma_semaphore, #tpu.memory_space<semaphore_mem>>) src(%dma_wait3A_293 : memref<100000x128xf32, #tpu.memory_space<hbm>>) dst(%arg11 : memref<64x128xf32, #tpu.memory_space<vmem>>)
      %mul3A_294 = arith.constant 10 : i32
      %mul3A_295 = arith.muli %scan3A_207, %mul3A_294 : i32
      %add3A_296 = arith.constant 5 : i32
      %add3A_297 = arith.addi %mul3A_295, %add3A_296 : i32
      %mul3A_298 = arith.constant 64 : i32
      %mul3A_299 = arith.muli %add3A_297, %mul3A_298 : i32
      %add3A_300 = arith.addi %mul3A_2, %mul3A_299 : i32
      %dma_start3A_301 = arith.constant 0 : i32
      %dma_start3A_302 = tpu.memref_slice %arg4[%add3A_300, %dma_start3A_301] : memref<204800x128xf32, #tpu.memory_space<hbm>> -> memref<64x128xf32, #tpu.memory_space<hbm>>
      %dma_start3A_303 = arith.constant 0 : i32
      %dma_start3A_304 = tpu.memref_slice %arg4[%add3A_300, %dma_start3A_303] : memref<204800x128xf32, #tpu.memory_space<hbm>> -> memref<64x128xf32, #tpu.memory_space<hbm>>
      tpu.enqueue_dma source(%arg11 : memref<64x128xf32, #tpu.memory_space<vmem>>) target(%dma_start3A_304 : memref<64x128xf32, #tpu.memory_space<hbm>>) target_semaphore(%arg31 : memref<!tpu.dma_semaphore, #tpu.memory_space<semaphore_mem>>)
      %dma_wait3A_305 = arith.constant 0 : i32
      %dma_wait3A_306 = tpu.memref_slice %arg5[%dma_wait3A_305] : memref<6400xi32, #tpu.memory_space<vmem>> -> memref<64xi32, #tpu.memory_space<vmem>>
      %dma_wait3A_307 = arith.constant 0 : i32
      %dma_wait3A_308 = arith.constant 0 : i32
      %dma_wait3A_309 = tpu.memref_slice %arg2[%dma_wait3A_307, %dma_wait3A_308] : memref<100000x128xf32, #tpu.memory_space<hbm>> -> memref<100000x128xf32, #tpu.memory_space<hbm>>
      tpu.wait_indirect_dma semaphore(%arg22 : memref<!tpu.dma_semaphore, #tpu.memory_space<semaphore_mem>>) src(%dma_wait3A_309 : memref<100000x128xf32, #tpu.memory_space<hbm>>) dst(%arg12 : memref<64x128xf32, #tpu.memory_space<vmem>>)
      %mul3A_310 = arith.constant 10 : i32
      %mul3A_311 = arith.muli %scan3A_207, %mul3A_310 : i32
      %add3A_312 = arith.constant 6 : i32
      %add3A_313 = arith.addi %mul3A_311, %add3A_312 : i32
      %mul3A_314 = arith.constant 64 : i32
      %mul3A_315 = arith.muli %add3A_313, %mul3A_314 : i32
      %add3A_316 = arith.addi %mul3A_2, %mul3A_315 : i32
      %dma_start3A_317 = arith.constant 0 : i32
      %dma_start3A_318 = tpu.memref_slice %arg4[%add3A_316, %dma_start3A_317] : memref<204800x128xf32, #tpu.memory_space<hbm>> -> memref<64x128xf32, #tpu.memory_space<hbm>>
      %dma_start3A_319 = arith.constant 0 : i32
      %dma_start3A_320 = tpu.memref_slice %arg4[%add3A_316, %dma_start3A_319] : memref<204800x128xf32, #tpu.memory_space<hbm>> -> memref<64x128xf32, #tpu.memory_space<hbm>>
      tpu.enqueue_dma source(%arg12 : memref<64x128xf32, #tpu.memory_space<vmem>>) target(%dma_start3A_320 : memref<64x128xf32, #tpu.memory_space<hbm>>) target_semaphore(%arg32 : memref<!tpu.dma_semaphore, #tpu.memory_space<semaphore_mem>>)
      %dma_wait3A_321 = arith.constant 0 : i32
      %dma_wait3A_322 = tpu.memref_slice %arg5[%dma_wait3A_321] : memref<6400xi32, #tpu.memory_space<vmem>> -> memref<64xi32, #tpu.memory_space<vmem>>
      %dma_wait3A_323 = arith.constant 0 : i32
      %dma_wait3A_324 = arith.constant 0 : i32
      %dma_wait3A_325 = tpu.memref_slice %arg2[%dma_wait3A_323, %dma_wait3A_324] : memref<100000x128xf32, #tpu.memory_space<hbm>> -> memref<100000x128xf32, #tpu.memory_space<hbm>>
      tpu.wait_indirect_dma semaphore(%arg23 : memref<!tpu.dma_semaphore, #tpu.memory_space<semaphore_mem>>) src(%dma_wait3A_325 : memref<100000x128xf32, #tpu.memory_space<hbm>>) dst(%arg13 : memref<64x128xf32, #tpu.memory_space<vmem>>)
      %mul3A_326 = arith.constant 10 : i32
      %mul3A_327 = arith.muli %scan3A_207, %mul3A_326 : i32
      %add3A_328 = arith.constant 7 : i32
      %add3A_329 = arith.addi %mul3A_327, %add3A_328 : i32
      %mul3A_330 = arith.constant 64 : i32
      %mul3A_331 = arith.muli %add3A_329, %mul3A_330 : i32
      %add3A_332 = arith.addi %mul3A_2, %mul3A_331 : i32
      %dma_start3A_333 = arith.constant 0 : i32
      %dma_start3A_334 = tpu.memref_slice %arg4[%add3A_332, %dma_start3A_333] : memref<204800x128xf32, #tpu.memory_space<hbm>> -> memref<64x128xf32, #tpu.memory_space<hbm>>
      %dma_start3A_335 = arith.constant 0 : i32
      %dma_start3A_336 = tpu.memref_slice %arg4[%add3A_332, %dma_start3A_335] : memref<204800x128xf32, #tpu.memory_space<hbm>> -> memref<64x128xf32, #tpu.memory_space<hbm>>
      tpu.enqueue_dma source(%arg13 : memref<64x128xf32, #tpu.memory_space<vmem>>) target(%dma_start3A_336 : memref<64x128xf32, #tpu.memory_space<hbm>>) target_semaphore(%arg33 : memref<!tpu.dma_semaphore, #tpu.memory_space<semaphore_mem>>)
      %dma_wait3A_337 = arith.constant 0 : i32
      %dma_wait3A_338 = tpu.memref_slice %arg5[%dma_wait3A_337] : memref<6400xi32, #tpu.memory_space<vmem>> -> memref<64xi32, #tpu.memory_space<vmem>>
      %dma_wait3A_339 = arith.constant 0 : i32
      %dma_wait3A_340 = arith.constant 0 : i32
      %dma_wait3A_341 = tpu.memref_slice %arg2[%dma_wait3A_339, %dma_wait3A_340] : memref<100000x128xf32, #tpu.memory_space<hbm>> -> memref<100000x128xf32, #tpu.memory_space<hbm>>
      tpu.wait_indirect_dma semaphore(%arg24 : memref<!tpu.dma_semaphore, #tpu.memory_space<semaphore_mem>>) src(%dma_wait3A_341 : memref<100000x128xf32, #tpu.memory_space<hbm>>) dst(%arg14 : memref<64x128xf32, #tpu.memory_space<vmem>>)
      %mul3A_342 = arith.constant 10 : i32
      %mul3A_343 = arith.muli %scan3A_207, %mul3A_342 : i32
      %add3A_344 = arith.constant 8 : i32
      %add3A_345 = arith.addi %mul3A_343, %add3A_344 : i32
      %mul3A_346 = arith.constant 64 : i32
      %mul3A_347 = arith.muli %add3A_345, %mul3A_346 : i32
      %add3A_348 = arith.addi %mul3A_2, %mul3A_347 : i32
      %dma_start3A_349 = arith.constant 0 : i32
      %dma_start3A_350 = tpu.memref_slice %arg4[%add3A_348, %dma_start3A_349] : memref<204800x128xf32, #tpu.memory_space<hbm>> -> memref<64x128xf32, #tpu.memory_space<hbm>>
      %dma_start3A_351 = arith.constant 0 : i32
      %dma_start3A_352 = tpu.memref_slice %arg4[%add3A_348, %dma_start3A_351] : memref<204800x128xf32, #tpu.memory_space<hbm>> -> memref<64x128xf32, #tpu.memory_space<hbm>>
      tpu.enqueue_dma source(%arg14 : memref<64x128xf32, #tpu.memory_space<vmem>>) target(%dma_start3A_352 : memref<64x128xf32, #tpu.memory_space<hbm>>) target_semaphore(%arg34 : memref<!tpu.dma_semaphore, #tpu.memory_space<semaphore_mem>>)
      %dma_wait3A_353 = arith.constant 0 : i32
      %dma_wait3A_354 = tpu.memref_slice %arg5[%dma_wait3A_353] : memref<6400xi32, #tpu.memory_space<vmem>> -> memref<64xi32, #tpu.memory_space<vmem>>
      %dma_wait3A_355 = arith.constant 0 : i32
      %dma_wait3A_356 = arith.constant 0 : i32
      %dma_wait3A_357 = tpu.memref_slice %arg2[%dma_wait3A_355, %dma_wait3A_356] : memref<100000x128xf32, #tpu.memory_space<hbm>> -> memref<100000x128xf32, #tpu.memory_space<hbm>>
      tpu.wait_indirect_dma semaphore(%arg25 : memref<!tpu.dma_semaphore, #tpu.memory_space<semaphore_mem>>) src(%dma_wait3A_357 : memref<100000x128xf32, #tpu.memory_space<hbm>>) dst(%arg15 : memref<64x128xf32, #tpu.memory_space<vmem>>)
      %mul3A_358 = arith.constant 10 : i32
      %mul3A_359 = arith.muli %scan3A_207, %mul3A_358 : i32
      %add3A_360 = arith.constant 9 : i32
      %add3A_361 = arith.addi %mul3A_359, %add3A_360 : i32
      %mul3A_362 = arith.constant 64 : i32
      %mul3A_363 = arith.muli %add3A_361, %mul3A_362 : i32
      %add3A_364 = arith.addi %mul3A_2, %mul3A_363 : i32
      %dma_start3A_365 = arith.constant 0 : i32
      %dma_start3A_366 = tpu.memref_slice %arg4[%add3A_364, %dma_start3A_365] : memref<204800x128xf32, #tpu.memory_space<hbm>> -> memref<64x128xf32, #tpu.memory_space<hbm>>
      %dma_start3A_367 = arith.constant 0 : i32
      %dma_start3A_368 = tpu.memref_slice %arg4[%add3A_364, %dma_start3A_367] : memref<204800x128xf32, #tpu.memory_space<hbm>> -> memref<64x128xf32, #tpu.memory_space<hbm>>
      tpu.enqueue_dma source(%arg15 : memref<64x128xf32, #tpu.memory_space<vmem>>) target(%dma_start3A_368 : memref<64x128xf32, #tpu.memory_space<hbm>>) target_semaphore(%arg35 : memref<!tpu.dma_semaphore, #tpu.memory_space<semaphore_mem>>)
      %dma_wait3A_369 = arith.constant 0 : i32
      %dma_wait3A_370 = tpu.memref_slice %arg4[%mul3A_2, %dma_wait3A_369] : memref<204800x128xf32, #tpu.memory_space<hbm>> -> memref<64x128xf32, #tpu.memory_space<hbm>>
      %dma_wait3A_371 = arith.constant 0 : i32
      %dma_wait3A_372 = tpu.memref_slice %arg4[%mul3A_2, %dma_wait3A_371] : memref<204800x128xf32, #tpu.memory_space<hbm>> -> memref<64x128xf32, #tpu.memory_space<hbm>>
      tpu.wait_dma2 semaphore(%arg26 : memref<!tpu.dma_semaphore, #tpu.memory_space<semaphore_mem>>) src(%arg6 : memref<64x128xf32, #tpu.memory_space<vmem>>) dst(%dma_wait3A_372 : memref<64x128xf32, #tpu.memory_space<hbm>>)
      %add3A_373 = arith.constant 1 : i32
      %add3A_374 = arith.addi %scan3A_207, %add3A_373 : i32
      %mul3A_375 = arith.constant 10 : i32
      %mul3A_376 = arith.muli %add3A_374, %mul3A_375 : i32
      %add3A_377 = arith.constant 0 : i32
      %add3A_378 = arith.addi %mul3A_376, %add3A_377 : i32
      %mul3A_379 = arith.constant 64 : i32
      %mul3A_380 = arith.muli %add3A_378, %mul3A_379 : i32
      %dma_start3A_381 = tpu.memref_slice %arg5[%mul3A_380] : memref<6400xi32, #tpu.memory_space<vmem>> -> memref<64xi32, #tpu.memory_space<vmem>>
      %dma_start3A_382 = arith.constant 0 : i32
      %dma_start3A_383 = arith.constant 0 : i32
      %dma_start3A_384 = tpu.memref_slice %arg2[%dma_start3A_382, %dma_start3A_383] : memref<100000x128xf32, #tpu.memory_space<hbm>> -> memref<100000x128xf32, #tpu.memory_space<hbm>>
      tpu.enqueue_indirect_dma source(%dma_start3A_384 : memref<100000x128xf32, #tpu.memory_space<hbm>>) target(%arg6 : memref<64x128xf32, #tpu.memory_space<vmem>>) offsets(%dma_start3A_381 : memref<64xi32, #tpu.memory_space<vmem>>) semaphore(%arg16 : memref<!tpu.dma_semaphore, #tpu.memory_space<semaphore_mem>>)
      %dma_wait3A_385 = arith.constant 0 : i32
      %dma_wait3A_386 = tpu.memref_slice %arg4[%mul3A_2, %dma_wait3A_385] : memref<204800x128xf32, #tpu.memory_space<hbm>> -> memref<64x128xf32, #tpu.memory_space<hbm>>
      %dma_wait3A_387 = arith.constant 0 : i32
      %dma_wait3A_388 = tpu.memref_slice %arg4[%mul3A_2, %dma_wait3A_387] : memref<204800x128xf32, #tpu.memory_space<hbm>> -> memref<64x128xf32, #tpu.memory_space<hbm>>
      tpu.wait_dma2 semaphore(%arg27 : memref<!tpu.dma_semaphore, #tpu.memory_space<semaphore_mem>>) src(%arg7 : memref<64x128xf32, #tpu.memory_space<vmem>>) dst(%dma_wait3A_388 : memref<64x128xf32, #tpu.memory_space<hbm>>)
      %add3A_389 = arith.constant 1 : i32
      %add3A_390 = arith.addi %scan3A_207, %add3A_389 : i32
      %mul3A_391 = arith.constant 10 : i32
      %mul3A_392 = arith.muli %add3A_390, %mul3A_391 : i32
      %add3A_393 = arith.constant 1 : i32
      %add3A_394 = arith.addi %mul3A_392, %add3A_393 : i32
      %mul3A_395 = arith.constant 64 : i32
      %mul3A_396 = arith.muli %add3A_394, %mul3A_395 : i32
      %dma_start3A_397 = tpu.memref_slice %arg5[%mul3A_396] : memref<6400xi32, #tpu.memory_space<vmem>> -> memref<64xi32, #tpu.memory_space<vmem>>
      %dma_start3A_398 = arith.constant 0 : i32
      %dma_start3A_399 = arith.constant 0 : i32
      %dma_start3A_400 = tpu.memref_slice %arg2[%dma_start3A_398, %dma_start3A_399] : memref<100000x128xf32, #tpu.memory_space<hbm>> -> memref<100000x128xf32, #tpu.memory_space<hbm>>
      tpu.enqueue_indirect_dma source(%dma_start3A_400 : memref<100000x128xf32, #tpu.memory_space<hbm>>) target(%arg7 : memref<64x128xf32, #tpu.memory_space<vmem>>) offsets(%dma_start3A_397 : memref<64xi32, #tpu.memory_space<vmem>>) semaphore(%arg17 : memref<!tpu.dma_semaphore, #tpu.memory_space<semaphore_mem>>)
      %dma_wait3A_401 = arith.constant 0 : i32
      %dma_wait3A_402 = tpu.memref_slice %arg4[%mul3A_2, %dma_wait3A_401] : memref<204800x128xf32, #tpu.memory_space<hbm>> -> memref<64x128xf32, #tpu.memory_space<hbm>>
      %dma_wait3A_403 = arith.constant 0 : i32
      %dma_wait3A_404 = tpu.memref_slice %arg4[%mul3A_2, %dma_wait3A_403] : memref<204800x128xf32, #tpu.memory_space<hbm>> -> memref<64x128xf32, #tpu.memory_space<hbm>>
      tpu.wait_dma2 semaphore(%arg28 : memref<!tpu.dma_semaphore, #tpu.memory_space<semaphore_mem>>) src(%arg8 : memref<64x128xf32, #tpu.memory_space<vmem>>) dst(%dma_wait3A_404 : memref<64x128xf32, #tpu.memory_space<hbm>>)
      %add3A_405 = arith.constant 1 : i32
      %add3A_406 = arith.addi %scan3A_207, %add3A_405 : i32
      %mul3A_407 = arith.constant 10 : i32
      %mul3A_408 = arith.muli %add3A_406, %mul3A_407 : i32
      %add3A_409 = arith.constant 2 : i32
      %add3A_410 = arith.addi %mul3A_408, %add3A_409 : i32
      %mul3A_411 = arith.constant 64 : i32
      %mul3A_412 = arith.muli %add3A_410, %mul3A_411 : i32
      %dma_start3A_413 = tpu.memref_slice %arg5[%mul3A_412] : memref<6400xi32, #tpu.memory_space<vmem>> -> memref<64xi32, #tpu.memory_space<vmem>>
      %dma_start3A_414 = arith.constant 0 : i32
      %dma_start3A_415 = arith.constant 0 : i32
      %dma_start3A_416 = tpu.memref_slice %arg2[%dma_start3A_414, %dma_start3A_415] : memref<100000x128xf32, #tpu.memory_space<hbm>> -> memref<100000x128xf32, #tpu.memory_space<hbm>>
      tpu.enqueue_indirect_dma source(%dma_start3A_416 : memref<100000x128xf32, #tpu.memory_space<hbm>>) target(%arg8 : memref<64x128xf32, #tpu.memory_space<vmem>>) offsets(%dma_start3A_413 : memref<64xi32, #tpu.memory_space<vmem>>) semaphore(%arg18 : memref<!tpu.dma_semaphore, #tpu.memory_space<semaphore_mem>>)
      %dma_wait3A_417 = arith.constant 0 : i32
      %dma_wait3A_418 = tpu.memref_slice %arg4[%mul3A_2, %dma_wait3A_417] : memref<204800x128xf32, #tpu.memory_space<hbm>> -> memref<64x128xf32, #tpu.memory_space<hbm>>
      %dma_wait3A_419 = arith.constant 0 : i32
      %dma_wait3A_420 = tpu.memref_slice %arg4[%mul3A_2, %dma_wait3A_419] : memref<204800x128xf32, #tpu.memory_space<hbm>> -> memref<64x128xf32, #tpu.memory_space<hbm>>
      tpu.wait_dma2 semaphore(%arg29 : memref<!tpu.dma_semaphore, #tpu.memory_space<semaphore_mem>>) src(%arg9 : memref<64x128xf32, #tpu.memory_space<vmem>>) dst(%dma_wait3A_420 : memref<64x128xf32, #tpu.memory_space<hbm>>)
      %add3A_421 = arith.constant 1 : i32
      %add3A_422 = arith.addi %scan3A_207, %add3A_421 : i32
      %mul3A_423 = arith.constant 10 : i32
      %mul3A_424 = arith.muli %add3A_422, %mul3A_423 : i32
      %add3A_425 = arith.constant 3 : i32
      %add3A_426 = arith.addi %mul3A_424, %add3A_425 : i32
      %mul3A_427 = arith.constant 64 : i32
      %mul3A_428 = arith.muli %add3A_426, %mul3A_427 : i32
      %dma_start3A_429 = tpu.memref_slice %arg5[%mul3A_428] : memref<6400xi32, #tpu.memory_space<vmem>> -> memref<64xi32, #tpu.memory_space<vmem>>
      %dma_start3A_430 = arith.constant 0 : i32
      %dma_start3A_431 = arith.constant 0 : i32
      %dma_start3A_432 = tpu.memref_slice %arg2[%dma_start3A_430, %dma_start3A_431] : memref<100000x128xf32, #tpu.memory_space<hbm>> -> memref<100000x128xf32, #tpu.memory_space<hbm>>
      tpu.enqueue_indirect_dma source(%dma_start3A_432 : memref<100000x128xf32, #tpu.memory_space<hbm>>) target(%arg9 : memref<64x128xf32, #tpu.memory_space<vmem>>) offsets(%dma_start3A_429 : memref<64xi32, #tpu.memory_space<vmem>>) semaphore(%arg19 : memref<!tpu.dma_semaphore, #tpu.memory_space<semaphore_mem>>)
      %dma_wait3A_433 = arith.constant 0 : i32
      %dma_wait3A_434 = tpu.memref_slice %arg4[%mul3A_2, %dma_wait3A_433] : memref<204800x128xf32, #tpu.memory_space<hbm>> -> memref<64x128xf32, #tpu.memory_space<hbm>>
      %dma_wait3A_435 = arith.constant 0 : i32
      %dma_wait3A_436 = tpu.memref_slice %arg4[%mul3A_2, %dma_wait3A_435] : memref<204800x128xf32, #tpu.memory_space<hbm>> -> memref<64x128xf32, #tpu.memory_space<hbm>>
      tpu.wait_dma2 semaphore(%arg30 : memref<!tpu.dma_semaphore, #tpu.memory_space<semaphore_mem>>) src(%arg10 : memref<64x128xf32, #tpu.memory_space<vmem>>) dst(%dma_wait3A_436 : memref<64x128xf32, #tpu.memory_space<hbm>>)
      %add3A_437 = arith.constant 1 : i32
      %add3A_438 = arith.addi %scan3A_207, %add3A_437 : i32
      %mul3A_439 = arith.constant 10 : i32
      %mul3A_440 = arith.muli %add3A_438, %mul3A_439 : i32
      %add3A_441 = arith.constant 4 : i32
      %add3A_442 = arith.addi %mul3A_440, %add3A_441 : i32
      %mul3A_443 = arith.constant 64 : i32
      %mul3A_444 = arith.muli %add3A_442, %mul3A_443 : i32
      %dma_start3A_445 = tpu.memref_slice %arg5[%mul3A_444] : memref<6400xi32, #tpu.memory_space<vmem>> -> memref<64xi32, #tpu.memory_space<vmem>>
      %dma_start3A_446 = arith.constant 0 : i32
      %dma_start3A_447 = arith.constant 0 : i32
      %dma_start3A_448 = tpu.memref_slice %arg2[%dma_start3A_446, %dma_start3A_447] : memref<100000x128xf32, #tpu.memory_space<hbm>> -> memref<100000x128xf32, #tpu.memory_space<hbm>>
      tpu.enqueue_indirect_dma source(%dma_start3A_448 : memref<100000x128xf32, #tpu.memory_space<hbm>>) target(%arg10 : memref<64x128xf32, #tpu.memory_space<vmem>>) offsets(%dma_start3A_445 : memref<64xi32, #tpu.memory_space<vmem>>) semaphore(%arg20 : memref<!tpu.dma_semaphore, #tpu.memory_space<semaphore_mem>>)
      %dma_wait3A_449 = arith.constant 0 : i32
      %dma_wait3A_450 = tpu.memref_slice %arg4[%mul3A_2, %dma_wait3A_449] : memref<204800x128xf32, #tpu.memory_space<hbm>> -> memref<64x128xf32, #tpu.memory_space<hbm>>
      %dma_wait3A_451 = arith.constant 0 : i32
      %dma_wait3A_452 = tpu.memref_slice %arg4[%mul3A_2, %dma_wait3A_451] : memref<204800x128xf32, #tpu.memory_space<hbm>> -> memref<64x128xf32, #tpu.memory_space<hbm>>
      tpu.wait_dma2 semaphore(%arg31 : memref<!tpu.dma_semaphore, #tpu.memory_space<semaphore_mem>>) src(%arg11 : memref<64x128xf32, #tpu.memory_space<vmem>>) dst(%dma_wait3A_452 : memref<64x128xf32, #tpu.memory_space<hbm>>)
      %add3A_453 = arith.constant 1 : i32
      %add3A_454 = arith.addi %scan3A_207, %add3A_453 : i32
      %mul3A_455 = arith.constant 10 : i32
      %mul3A_456 = arith.muli %add3A_454, %mul3A_455 : i32
      %add3A_457 = arith.constant 5 : i32
      %add3A_458 = arith.addi %mul3A_456, %add3A_457 : i32
      %mul3A_459 = arith.constant 64 : i32
      %mul3A_460 = arith.muli %add3A_458, %mul3A_459 : i32
      %dma_start3A_461 = tpu.memref_slice %arg5[%mul3A_460] : memref<6400xi32, #tpu.memory_space<vmem>> -> memref<64xi32, #tpu.memory_space<vmem>>
      %dma_start3A_462 = arith.constant 0 : i32
      %dma_start3A_463 = arith.constant 0 : i32
      %dma_start3A_464 = tpu.memref_slice %arg2[%dma_start3A_462, %dma_start3A_463] : memref<100000x128xf32, #tpu.memory_space<hbm>> -> memref<100000x128xf32, #tpu.memory_space<hbm>>
      tpu.enqueue_indirect_dma source(%dma_start3A_464 : memref<100000x128xf32, #tpu.memory_space<hbm>>) target(%arg11 : memref<64x128xf32, #tpu.memory_space<vmem>>) offsets(%dma_start3A_461 : memref<64xi32, #tpu.memory_space<vmem>>) semaphore(%arg21 : memref<!tpu.dma_semaphore, #tpu.memory_space<semaphore_mem>>)
      %dma_wait3A_465 = arith.constant 0 : i32
      %dma_wait3A_466 = tpu.memref_slice %arg4[%mul3A_2, %dma_wait3A_465] : memref<204800x128xf32, #tpu.memory_space<hbm>> -> memref<64x128xf32, #tpu.memory_space<hbm>>
      %dma_wait3A_467 = arith.constant 0 : i32
      %dma_wait3A_468 = tpu.memref_slice %arg4[%mul3A_2, %dma_wait3A_467] : memref<204800x128xf32, #tpu.memory_space<hbm>> -> memref<64x128xf32, #tpu.memory_space<hbm>>
      tpu.wait_dma2 semaphore(%arg32 : memref<!tpu.dma_semaphore, #tpu.memory_space<semaphore_mem>>) src(%arg12 : memref<64x128xf32, #tpu.memory_space<vmem>>) dst(%dma_wait3A_468 : memref<64x128xf32, #tpu.memory_space<hbm>>)
      %add3A_469 = arith.constant 1 : i32
      %add3A_470 = arith.addi %scan3A_207, %add3A_469 : i32
      %mul3A_471 = arith.constant 10 : i32
      %mul3A_472 = arith.muli %add3A_470, %mul3A_471 : i32
      %add3A_473 = arith.constant 6 : i32
      %add3A_474 = arith.addi %mul3A_472, %add3A_473 : i32
      %mul3A_475 = arith.constant 64 : i32
      %mul3A_476 = arith.muli %add3A_474, %mul3A_475 : i32
      %dma_start3A_477 = tpu.memref_slice %arg5[%mul3A_476] : memref<6400xi32, #tpu.memory_space<vmem>> -> memref<64xi32, #tpu.memory_space<vmem>>
      %dma_start3A_478 = arith.constant 0 : i32
      %dma_start3A_479 = arith.constant 0 : i32
      %dma_start3A_480 = tpu.memref_slice %arg2[%dma_start3A_478, %dma_start3A_479] : memref<100000x128xf32, #tpu.memory_space<hbm>> -> memref<100000x128xf32, #tpu.memory_space<hbm>>
      tpu.enqueue_indirect_dma source(%dma_start3A_480 : memref<100000x128xf32, #tpu.memory_space<hbm>>) target(%arg12 : memref<64x128xf32, #tpu.memory_space<vmem>>) offsets(%dma_start3A_477 : memref<64xi32, #tpu.memory_space<vmem>>) semaphore(%arg22 : memref<!tpu.dma_semaphore, #tpu.memory_space<semaphore_mem>>)
      %dma_wait3A_481 = arith.constant 0 : i32
      %dma_wait3A_482 = tpu.memref_slice %arg4[%mul3A_2, %dma_wait3A_481] : memref<204800x128xf32, #tpu.memory_space<hbm>> -> memref<64x128xf32, #tpu.memory_space<hbm>>
      %dma_wait3A_483 = arith.constant 0 : i32
      %dma_wait3A_484 = tpu.memref_slice %arg4[%mul3A_2, %dma_wait3A_483] : memref<204800x128xf32, #tpu.memory_space<hbm>> -> memref<64x128xf32, #tpu.memory_space<hbm>>
      tpu.wait_dma2 semaphore(%arg33 : memref<!tpu.dma_semaphore, #tpu.memory_space<semaphore_mem>>) src(%arg13 : memref<64x128xf32, #tpu.memory_space<vmem>>) dst(%dma_wait3A_484 : memref<64x128xf32, #tpu.memory_space<hbm>>)
      %add3A_485 = arith.constant 1 : i32
      %add3A_486 = arith.addi %scan3A_207, %add3A_485 : i32
      %mul3A_487 = arith.constant 10 : i32
      %mul3A_488 = arith.muli %add3A_486, %mul3A_487 : i32
      %add3A_489 = arith.constant 7 : i32
      %add3A_490 = arith.addi %mul3A_488, %add3A_489 : i32
      %mul3A_491 = arith.constant 64 : i32
      %mul3A_492 = arith.muli %add3A_490, %mul3A_491 : i32
      %dma_start3A_493 = tpu.memref_slice %arg5[%mul3A_492] : memref<6400xi32, #tpu.memory_space<vmem>> -> memref<64xi32, #tpu.memory_space<vmem>>
      %dma_start3A_494 = arith.constant 0 : i32
      %dma_start3A_495 = arith.constant 0 : i32
      %dma_start3A_496 = tpu.memref_slice %arg2[%dma_start3A_494, %dma_start3A_495] : memref<100000x128xf32, #tpu.memory_space<hbm>> -> memref<100000x128xf32, #tpu.memory_space<hbm>>
      tpu.enqueue_indirect_dma source(%dma_start3A_496 : memref<100000x128xf32, #tpu.memory_space<hbm>>) target(%arg13 : memref<64x128xf32, #tpu.memory_space<vmem>>) offsets(%dma_start3A_493 : memref<64xi32, #tpu.memory_space<vmem>>) semaphore(%arg23 : memref<!tpu.dma_semaphore, #tpu.memory_space<semaphore_mem>>)
      %dma_wait3A_497 = arith.constant 0 : i32
      %dma_wait3A_498 = tpu.memref_slice %arg4[%mul3A_2, %dma_wait3A_497] : memref<204800x128xf32, #tpu.memory_space<hbm>> -> memref<64x128xf32, #tpu.memory_space<hbm>>
      %dma_wait3A_499 = arith.constant 0 : i32
      %dma_wait3A_500 = tpu.memref_slice %arg4[%mul3A_2, %dma_wait3A_499] : memref<204800x128xf32, #tpu.memory_space<hbm>> -> memref<64x128xf32, #tpu.memory_space<hbm>>
      tpu.wait_dma2 semaphore(%arg34 : memref<!tpu.dma_semaphore, #tpu.memory_space<semaphore_mem>>) src(%arg14 : memref<64x128xf32, #tpu.memory_space<vmem>>) dst(%dma_wait3A_500 : memref<64x128xf32, #tpu.memory_space<hbm>>)
      %add3A_501 = arith.constant 1 : i32
      %add3A_502 = arith.addi %scan3A_207, %add3A_501 : i32
      %mul3A_503 = arith.constant 10 : i32
      %mul3A_504 = arith.muli %add3A_502, %mul3A_503 : i32
      %add3A_505 = arith.constant 8 : i32
      %add3A_506 = arith.addi %mul3A_504, %add3A_505 : i32
      %mul3A_507 = arith.constant 64 : i32
      %mul3A_508 = arith.muli %add3A_506, %mul3A_507 : i32
      %dma_start3A_509 = tpu.memref_slice %arg5[%mul3A_508] : memref<6400xi32, #tpu.memory_space<vmem>> -> memref<64xi32, #tpu.memory_space<vmem>>
      %dma_start3A_510 = arith.constant 0 : i32
      %dma_start3A_511 = arith.constant 0 : i32
      %dma_start3A_512 = tpu.memref_slice %arg2[%dma_start3A_510, %dma_start3A_511] : memref<100000x128xf32, #tpu.memory_space<hbm>> -> memref<100000x128xf32, #tpu.memory_space<hbm>>
      tpu.enqueue_indirect_dma source(%dma_start3A_512 : memref<100000x128xf32, #tpu.memory_space<hbm>>) target(%arg14 : memref<64x128xf32, #tpu.memory_space<vmem>>) offsets(%dma_start3A_509 : memref<64xi32, #tpu.memory_space<vmem>>) semaphore(%arg24 : memref<!tpu.dma_semaphore, #tpu.memory_space<semaphore_mem>>)
      %dma_wait3A_513 = arith.constant 0 : i32
      %dma_wait3A_514 = tpu.memref_slice %arg4[%mul3A_2, %dma_wait3A_513] : memref<204800x128xf32, #tpu.memory_space<hbm>> -> memref<64x128xf32, #tpu.memory_space<hbm>>
      %dma_wait3A_515 = arith.constant 0 : i32
      %dma_wait3A_516 = tpu.memref_slice %arg4[%mul3A_2, %dma_wait3A_515] : memref<204800x128xf32, #tpu.memory_space<hbm>> -> memref<64x128xf32, #tpu.memory_space<hbm>>
      tpu.wait_dma2 semaphore(%arg35 : memref<!tpu.dma_semaphore, #tpu.memory_space<semaphore_mem>>) src(%arg15 : memref<64x128xf32, #tpu.memory_space<vmem>>) dst(%dma_wait3A_516 : memref<64x128xf32, #tpu.memory_space<hbm>>)
      %add3A_517 = arith.constant 1 : i32
      %add3A_518 = arith.addi %scan3A_207, %add3A_517 : i32
      %mul3A_519 = arith.constant 10 : i32
      %mul3A_520 = arith.muli %add3A_518, %mul3A_519 : i32
      %add3A_521 = arith.constant 9 : i32
      %add3A_522 = arith.addi %mul3A_520, %add3A_521 : i32
      %mul3A_523 = arith.constant 64 : i32
      %mul3A_524 = arith.muli %add3A_522, %mul3A_523 : i32
      %dma_start3A_525 = tpu.memref_slice %arg5[%mul3A_524] : memref<6400xi32, #tpu.memory_space<vmem>> -> memref<64xi32, #tpu.memory_space<vmem>>
      %dma_start3A_526 = arith.constant 0 : i32
      %dma_start3A_527 = arith.constant 0 : i32
      %dma_start3A_528 = tpu.memref_slice %arg2[%dma_start3A_526, %dma_start3A_527] : memref<100000x128xf32, #tpu.memory_space<hbm>> -> memref<100000x128xf32, #tpu.memory_space<hbm>>
      tpu.enqueue_indirect_dma source(%dma_start3A_528 : memref<100000x128xf32, #tpu.memory_space<hbm>>) target(%arg15 : memref<64x128xf32, #tpu.memory_space<vmem>>) offsets(%dma_start3A_525 : memref<64xi32, #tpu.memory_space<vmem>>) semaphore(%arg25 : memref<!tpu.dma_semaphore, #tpu.memory_space<semaphore_mem>>)
      %scan3A_529 = arith.constant 0 : i32
      scf.yield %scan3A_529 : i32
    }
    %scan3A_57 = arith.constant 9 : i32
    %dma_wait3A = arith.constant 0 : i32
    %dma_wait3A_58 = tpu.memref_slice %arg5[%dma_wait3A] : memref<6400xi32, #tpu.memory_space<vmem>> -> memref<64xi32, #tpu.memory_space<vmem>>
    %dma_wait3A_59 = arith.constant 0 : i32
    %dma_wait3A_60 = arith.constant 0 : i32
    %dma_wait3A_61 = tpu.memref_slice %arg2[%dma_wait3A_59, %dma_wait3A_60] : memref<100000x128xf32, #tpu.memory_space<hbm>> -> memref<100000x128xf32, #tpu.memory_space<hbm>>
    tpu.wait_indirect_dma semaphore(%arg16 : memref<!tpu.dma_semaphore, #tpu.memory_space<semaphore_mem>>) src(%dma_wait3A_61 : memref<100000x128xf32, #tpu.memory_space<hbm>>) dst(%arg6 : memref<64x128xf32, #tpu.memory_space<vmem>>)
    %add3A_62 = arith.constant 5760 : i32
    %add3A_63 = arith.addi %mul3A_2, %add3A_62 : i32
    %dma_start3A_64 = arith.constant 0 : i32
    %dma_start3A_65 = tpu.memref_slice %arg4[%add3A_63, %dma_start3A_64] : memref<204800x128xf32, #tpu.memory_space<hbm>> -> memref<64x128xf32, #tpu.memory_space<hbm>>
    %dma_start3A_66 = arith.constant 0 : i32
    %dma_start3A_67 = tpu.memref_slice %arg4[%add3A_63, %dma_start3A_66] : memref<204800x128xf32, #tpu.memory_space<hbm>> -> memref<64x128xf32, #tpu.memory_space<hbm>>
    tpu.enqueue_dma source(%arg6 : memref<64x128xf32, #tpu.memory_space<vmem>>) target(%dma_start3A_67 : memref<64x128xf32, #tpu.memory_space<hbm>>) target_semaphore(%arg26 : memref<!tpu.dma_semaphore, #tpu.memory_space<semaphore_mem>>)
    %dma_wait3A_68 = arith.constant 0 : i32
    %dma_wait3A_69 = tpu.memref_slice %arg5[%dma_wait3A_68] : memref<6400xi32, #tpu.memory_space<vmem>> -> memref<64xi32, #tpu.memory_space<vmem>>
    %dma_wait3A_70 = arith.constant 0 : i32
    %dma_wait3A_71 = arith.constant 0 : i32
    %dma_wait3A_72 = tpu.memref_slice %arg2[%dma_wait3A_70, %dma_wait3A_71] : memref<100000x128xf32, #tpu.memory_space<hbm>> -> memref<100000x128xf32, #tpu.memory_space<hbm>>
    tpu.wait_indirect_dma semaphore(%arg17 : memref<!tpu.dma_semaphore, #tpu.memory_space<semaphore_mem>>) src(%dma_wait3A_72 : memref<100000x128xf32, #tpu.memory_space<hbm>>) dst(%arg7 : memref<64x128xf32, #tpu.memory_space<vmem>>)
    %add3A_73 = arith.constant 5824 : i32
    %add3A_74 = arith.addi %mul3A_2, %add3A_73 : i32
    %dma_start3A_75 = arith.constant 0 : i32
    %dma_start3A_76 = tpu.memref_slice %arg4[%add3A_74, %dma_start3A_75] : memref<204800x128xf32, #tpu.memory_space<hbm>> -> memref<64x128xf32, #tpu.memory_space<hbm>>
    %dma_start3A_77 = arith.constant 0 : i32
    %dma_start3A_78 = tpu.memref_slice %arg4[%add3A_74, %dma_start3A_77] : memref<204800x128xf32, #tpu.memory_space<hbm>> -> memref<64x128xf32, #tpu.memory_space<hbm>>
    tpu.enqueue_dma source(%arg7 : memref<64x128xf32, #tpu.memory_space<vmem>>) target(%dma_start3A_78 : memref<64x128xf32, #tpu.memory_space<hbm>>) target_semaphore(%arg27 : memref<!tpu.dma_semaphore, #tpu.memory_space<semaphore_mem>>)
    %dma_wait3A_79 = arith.constant 0 : i32
    %dma_wait3A_80 = tpu.memref_slice %arg5[%dma_wait3A_79] : memref<6400xi32, #tpu.memory_space<vmem>> -> memref<64xi32, #tpu.memory_space<vmem>>
    %dma_wait3A_81 = arith.constant 0 : i32
    %dma_wait3A_82 = arith.constant 0 : i32
    %dma_wait3A_83 = tpu.memref_slice %arg2[%dma_wait3A_81, %dma_wait3A_82] : memref<100000x128xf32, #tpu.memory_space<hbm>> -> memref<100000x128xf32, #tpu.memory_space<hbm>>
    tpu.wait_indirect_dma semaphore(%arg18 : memref<!tpu.dma_semaphore, #tpu.memory_space<semaphore_mem>>) src(%dma_wait3A_83 : memref<100000x128xf32, #tpu.memory_space<hbm>>) dst(%arg8 : memref<64x128xf32, #tpu.memory_space<vmem>>)
    %add3A_84 = arith.constant 5888 : i32
    %add3A_85 = arith.addi %mul3A_2, %add3A_84 : i32
    %dma_start3A_86 = arith.constant 0 : i32
    %dma_start3A_87 = tpu.memref_slice %arg4[%add3A_85, %dma_start3A_86] : memref<204800x128xf32, #tpu.memory_space<hbm>> -> memref<64x128xf32, #tpu.memory_space<hbm>>
    %dma_start3A_88 = arith.constant 0 : i32
    %dma_start3A_89 = tpu.memref_slice %arg4[%add3A_85, %dma_start3A_88] : memref<204800x128xf32, #tpu.memory_space<hbm>> -> memref<64x128xf32, #tpu.memory_space<hbm>>
    tpu.enqueue_dma source(%arg8 : memref<64x128xf32, #tpu.memory_space<vmem>>) target(%dma_start3A_89 : memref<64x128xf32, #tpu.memory_space<hbm>>) target_semaphore(%arg28 : memref<!tpu.dma_semaphore, #tpu.memory_space<semaphore_mem>>)
    %dma_wait3A_90 = arith.constant 0 : i32
    %dma_wait3A_91 = tpu.memref_slice %arg5[%dma_wait3A_90] : memref<6400xi32, #tpu.memory_space<vmem>> -> memref<64xi32, #tpu.memory_space<vmem>>
    %dma_wait3A_92 = arith.constant 0 : i32
    %dma_wait3A_93 = arith.constant 0 : i32
    %dma_wait3A_94 = tpu.memref_slice %arg2[%dma_wait3A_92, %dma_wait3A_93] : memref<100000x128xf32, #tpu.memory_space<hbm>> -> memref<100000x128xf32, #tpu.memory_space<hbm>>
    tpu.wait_indirect_dma semaphore(%arg19 : memref<!tpu.dma_semaphore, #tpu.memory_space<semaphore_mem>>) src(%dma_wait3A_94 : memref<100000x128xf32, #tpu.memory_space<hbm>>) dst(%arg9 : memref<64x128xf32, #tpu.memory_space<vmem>>)
    %add3A_95 = arith.constant 5952 : i32
    %add3A_96 = arith.addi %mul3A_2, %add3A_95 : i32
    %dma_start3A_97 = arith.constant 0 : i32
    %dma_start3A_98 = tpu.memref_slice %arg4[%add3A_96, %dma_start3A_97] : memref<204800x128xf32, #tpu.memory_space<hbm>> -> memref<64x128xf32, #tpu.memory_space<hbm>>
    %dma_start3A_99 = arith.constant 0 : i32
    %dma_start3A_100 = tpu.memref_slice %arg4[%add3A_96, %dma_start3A_99] : memref<204800x128xf32, #tpu.memory_space<hbm>> -> memref<64x128xf32, #tpu.memory_space<hbm>>
    tpu.enqueue_dma source(%arg9 : memref<64x128xf32, #tpu.memory_space<vmem>>) target(%dma_start3A_100 : memref<64x128xf32, #tpu.memory_space<hbm>>) target_semaphore(%arg29 : memref<!tpu.dma_semaphore, #tpu.memory_space<semaphore_mem>>)
    %dma_wait3A_101 = arith.constant 0 : i32
    %dma_wait3A_102 = tpu.memref_slice %arg5[%dma_wait3A_101] : memref<6400xi32, #tpu.memory_space<vmem>> -> memref<64xi32, #tpu.memory_space<vmem>>
    %dma_wait3A_103 = arith.constant 0 : i32
    %dma_wait3A_104 = arith.constant 0 : i32
    %dma_wait3A_105 = tpu.memref_slice %arg2[%dma_wait3A_103, %dma_wait3A_104] : memref<100000x128xf32, #tpu.memory_space<hbm>> -> memref<100000x128xf32, #tpu.memory_space<hbm>>
    tpu.wait_indirect_dma semaphore(%arg20 : memref<!tpu.dma_semaphore, #tpu.memory_space<semaphore_mem>>) src(%dma_wait3A_105 : memref<100000x128xf32, #tpu.memory_space<hbm>>) dst(%arg10 : memref<64x128xf32, #tpu.memory_space<vmem>>)
    %add3A_106 = arith.constant 6016 : i32
    %add3A_107 = arith.addi %mul3A_2, %add3A_106 : i32
    %dma_start3A_108 = arith.constant 0 : i32
    %dma_start3A_109 = tpu.memref_slice %arg4[%add3A_107, %dma_start3A_108] : memref<204800x128xf32, #tpu.memory_space<hbm>> -> memref<64x128xf32, #tpu.memory_space<hbm>>
    %dma_start3A_110 = arith.constant 0 : i32
    %dma_start3A_111 = tpu.memref_slice %arg4[%add3A_107, %dma_start3A_110] : memref<204800x128xf32, #tpu.memory_space<hbm>> -> memref<64x128xf32, #tpu.memory_space<hbm>>
    tpu.enqueue_dma source(%arg10 : memref<64x128xf32, #tpu.memory_space<vmem>>) target(%dma_start3A_111 : memref<64x128xf32, #tpu.memory_space<hbm>>) target_semaphore(%arg30 : memref<!tpu.dma_semaphore, #tpu.memory_space<semaphore_mem>>)
    %dma_wait3A_112 = arith.constant 0 : i32
    %dma_wait3A_113 = tpu.memref_slice %arg5[%dma_wait3A_112] : memref<6400xi32, #tpu.memory_space<vmem>> -> memref<64xi32, #tpu.memory_space<vmem>>
    %dma_wait3A_114 = arith.constant 0 : i32
    %dma_wait3A_115 = arith.constant 0 : i32
    %dma_wait3A_116 = tpu.memref_slice %arg2[%dma_wait3A_114, %dma_wait3A_115] : memref<100000x128xf32, #tpu.memory_space<hbm>> -> memref<100000x128xf32, #tpu.memory_space<hbm>>
    tpu.wait_indirect_dma semaphore(%arg21 : memref<!tpu.dma_semaphore, #tpu.memory_space<semaphore_mem>>) src(%dma_wait3A_116 : memref<100000x128xf32, #tpu.memory_space<hbm>>) dst(%arg11 : memref<64x128xf32, #tpu.memory_space<vmem>>)
    %add3A_117 = arith.constant 6080 : i32
    %add3A_118 = arith.addi %mul3A_2, %add3A_117 : i32
    %dma_start3A_119 = arith.constant 0 : i32
    %dma_start3A_120 = tpu.memref_slice %arg4[%add3A_118, %dma_start3A_119] : memref<204800x128xf32, #tpu.memory_space<hbm>> -> memref<64x128xf32, #tpu.memory_space<hbm>>
    %dma_start3A_121 = arith.constant 0 : i32
    %dma_start3A_122 = tpu.memref_slice %arg4[%add3A_118, %dma_start3A_121] : memref<204800x128xf32, #tpu.memory_space<hbm>> -> memref<64x128xf32, #tpu.memory_space<hbm>>
    tpu.enqueue_dma source(%arg11 : memref<64x128xf32, #tpu.memory_space<vmem>>) target(%dma_start3A_122 : memref<64x128xf32, #tpu.memory_space<hbm>>) target_semaphore(%arg31 : memref<!tpu.dma_semaphore, #tpu.memory_space<semaphore_mem>>)
    %dma_wait3A_123 = arith.constant 0 : i32
    %dma_wait3A_124 = tpu.memref_slice %arg5[%dma_wait3A_123] : memref<6400xi32, #tpu.memory_space<vmem>> -> memref<64xi32, #tpu.memory_space<vmem>>
    %dma_wait3A_125 = arith.constant 0 : i32
    %dma_wait3A_126 = arith.constant 0 : i32
    %dma_wait3A_127 = tpu.memref_slice %arg2[%dma_wait3A_125, %dma_wait3A_126] : memref<100000x128xf32, #tpu.memory_space<hbm>> -> memref<100000x128xf32, #tpu.memory_space<hbm>>
    tpu.wait_indirect_dma semaphore(%arg22 : memref<!tpu.dma_semaphore, #tpu.memory_space<semaphore_mem>>) src(%dma_wait3A_127 : memref<100000x128xf32, #tpu.memory_space<hbm>>) dst(%arg12 : memref<64x128xf32, #tpu.memory_space<vmem>>)
    %add3A_128 = arith.constant 6144 : i32
    %add3A_129 = arith.addi %mul3A_2, %add3A_128 : i32
    %dma_start3A_130 = arith.constant 0 : i32
    %dma_start3A_131 = tpu.memref_slice %arg4[%add3A_129, %dma_start3A_130] : memref<204800x128xf32, #tpu.memory_space<hbm>> -> memref<64x128xf32, #tpu.memory_space<hbm>>
    %dma_start3A_132 = arith.constant 0 : i32
    %dma_start3A_133 = tpu.memref_slice %arg4[%add3A_129, %dma_start3A_132] : memref<204800x128xf32, #tpu.memory_space<hbm>> -> memref<64x128xf32, #tpu.memory_space<hbm>>
    tpu.enqueue_dma source(%arg12 : memref<64x128xf32, #tpu.memory_space<vmem>>) target(%dma_start3A_133 : memref<64x128xf32, #tpu.memory_space<hbm>>) target_semaphore(%arg32 : memref<!tpu.dma_semaphore, #tpu.memory_space<semaphore_mem>>)
    %dma_wait3A_134 = arith.constant 0 : i32
    %dma_wait3A_135 = tpu.memref_slice %arg5[%dma_wait3A_134] : memref<6400xi32, #tpu.memory_space<vmem>> -> memref<64xi32, #tpu.memory_space<vmem>>
    %dma_wait3A_136 = arith.constant 0 : i32
    %dma_wait3A_137 = arith.constant 0 : i32
    %dma_wait3A_138 = tpu.memref_slice %arg2[%dma_wait3A_136, %dma_wait3A_137] : memref<100000x128xf32, #tpu.memory_space<hbm>> -> memref<100000x128xf32, #tpu.memory_space<hbm>>
    tpu.wait_indirect_dma semaphore(%arg23 : memref<!tpu.dma_semaphore, #tpu.memory_space<semaphore_mem>>) src(%dma_wait3A_138 : memref<100000x128xf32, #tpu.memory_space<hbm>>) dst(%arg13 : memref<64x128xf32, #tpu.memory_space<vmem>>)
    %add3A_139 = arith.constant 6208 : i32
    %add3A_140 = arith.addi %mul3A_2, %add3A_139 : i32
    %dma_start3A_141 = arith.constant 0 : i32
    %dma_start3A_142 = tpu.memref_slice %arg4[%add3A_140, %dma_start3A_141] : memref<204800x128xf32, #tpu.memory_space<hbm>> -> memref<64x128xf32, #tpu.memory_space<hbm>>
    %dma_start3A_143 = arith.constant 0 : i32
    %dma_start3A_144 = tpu.memref_slice %arg4[%add3A_140, %dma_start3A_143] : memref<204800x128xf32, #tpu.memory_space<hbm>> -> memref<64x128xf32, #tpu.memory_space<hbm>>
    tpu.enqueue_dma source(%arg13 : memref<64x128xf32, #tpu.memory_space<vmem>>) target(%dma_start3A_144 : memref<64x128xf32, #tpu.memory_space<hbm>>) target_semaphore(%arg33 : memref<!tpu.dma_semaphore, #tpu.memory_space<semaphore_mem>>)
    %dma_wait3A_145 = arith.constant 0 : i32
    %dma_wait3A_146 = tpu.memref_slice %arg5[%dma_wait3A_145] : memref<6400xi32, #tpu.memory_space<vmem>> -> memref<64xi32, #tpu.memory_space<vmem>>
    %dma_wait3A_147 = arith.constant 0 : i32
    %dma_wait3A_148 = arith.constant 0 : i32
    %dma_wait3A_149 = tpu.memref_slice %arg2[%dma_wait3A_147, %dma_wait3A_148] : memref<100000x128xf32, #tpu.memory_space<hbm>> -> memref<100000x128xf32, #tpu.memory_space<hbm>>
    tpu.wait_indirect_dma semaphore(%arg24 : memref<!tpu.dma_semaphore, #tpu.memory_space<semaphore_mem>>) src(%dma_wait3A_149 : memref<100000x128xf32, #tpu.memory_space<hbm>>) dst(%arg14 : memref<64x128xf32, #tpu.memory_space<vmem>>)
    %add3A_150 = arith.constant 6272 : i32
    %add3A_151 = arith.addi %mul3A_2, %add3A_150 : i32
    %dma_start3A_152 = arith.constant 0 : i32
    %dma_start3A_153 = tpu.memref_slice %arg4[%add3A_151, %dma_start3A_152] : memref<204800x128xf32, #tpu.memory_space<hbm>> -> memref<64x128xf32, #tpu.memory_space<hbm>>
    %dma_start3A_154 = arith.constant 0 : i32
    %dma_start3A_155 = tpu.memref_slice %arg4[%add3A_151, %dma_start3A_154] : memref<204800x128xf32, #tpu.memory_space<hbm>> -> memref<64x128xf32, #tpu.memory_space<hbm>>
    tpu.enqueue_dma source(%arg14 : memref<64x128xf32, #tpu.memory_space<vmem>>) target(%dma_start3A_155 : memref<64x128xf32, #tpu.memory_space<hbm>>) target_semaphore(%arg34 : memref<!tpu.dma_semaphore, #tpu.memory_space<semaphore_mem>>)
    %dma_wait3A_156 = arith.constant 0 : i32
    %dma_wait3A_157 = tpu.memref_slice %arg5[%dma_wait3A_156] : memref<6400xi32, #tpu.memory_space<vmem>> -> memref<64xi32, #tpu.memory_space<vmem>>
    %dma_wait3A_158 = arith.constant 0 : i32
    %dma_wait3A_159 = arith.constant 0 : i32
    %dma_wait3A_160 = tpu.memref_slice %arg2[%dma_wait3A_158, %dma_wait3A_159] : memref<100000x128xf32, #tpu.memory_space<hbm>> -> memref<100000x128xf32, #tpu.memory_space<hbm>>
    tpu.wait_indirect_dma semaphore(%arg25 : memref<!tpu.dma_semaphore, #tpu.memory_space<semaphore_mem>>) src(%dma_wait3A_160 : memref<100000x128xf32, #tpu.memory_space<hbm>>) dst(%arg15 : memref<64x128xf32, #tpu.memory_space<vmem>>)
    %add3A_161 = arith.constant 6336 : i32
    %add3A_162 = arith.addi %mul3A_2, %add3A_161 : i32
    %dma_start3A_163 = arith.constant 0 : i32
    %dma_start3A_164 = tpu.memref_slice %arg4[%add3A_162, %dma_start3A_163] : memref<204800x128xf32, #tpu.memory_space<hbm>> -> memref<64x128xf32, #tpu.memory_space<hbm>>
    %dma_start3A_165 = arith.constant 0 : i32
    %dma_start3A_166 = tpu.memref_slice %arg4[%add3A_162, %dma_start3A_165] : memref<204800x128xf32, #tpu.memory_space<hbm>> -> memref<64x128xf32, #tpu.memory_space<hbm>>
    tpu.enqueue_dma source(%arg15 : memref<64x128xf32, #tpu.memory_space<vmem>>) target(%dma_start3A_166 : memref<64x128xf32, #tpu.memory_space<hbm>>) target_semaphore(%arg35 : memref<!tpu.dma_semaphore, #tpu.memory_space<semaphore_mem>>)
    %dma_wait3A_167 = arith.constant 0 : i32
    %dma_wait3A_168 = tpu.memref_slice %arg4[%mul3A_2, %dma_wait3A_167] : memref<204800x128xf32, #tpu.memory_space<hbm>> -> memref<64x128xf32, #tpu.memory_space<hbm>>
    %dma_wait3A_169 = arith.constant 0 : i32
    %dma_wait3A_170 = tpu.memref_slice %arg4[%mul3A_2, %dma_wait3A_169] : memref<204800x128xf32, #tpu.memory_space<hbm>> -> memref<64x128xf32, #tpu.memory_space<hbm>>
    tpu.wait_dma2 semaphore(%arg26 : memref<!tpu.dma_semaphore, #tpu.memory_space<semaphore_mem>>) src(%arg6 : memref<64x128xf32, #tpu.memory_space<vmem>>) dst(%dma_wait3A_170 : memref<64x128xf32, #tpu.memory_space<hbm>>)
    %dma_wait3A_171 = arith.constant 0 : i32
    %dma_wait3A_172 = tpu.memref_slice %arg4[%mul3A_2, %dma_wait3A_171] : memref<204800x128xf32, #tpu.memory_space<hbm>> -> memref<64x128xf32, #tpu.memory_space<hbm>>
    %dma_wait3A_173 = arith.constant 0 : i32
    %dma_wait3A_174 = tpu.memref_slice %arg4[%mul3A_2, %dma_wait3A_173] : memref<204800x128xf32, #tpu.memory_space<hbm>> -> memref<64x128xf32, #tpu.memory_space<hbm>>
    tpu.wait_dma2 semaphore(%arg27 : memref<!tpu.dma_semaphore, #tpu.memory_space<semaphore_mem>>) src(%arg7 : memref<64x128xf32, #tpu.memory_space<vmem>>) dst(%dma_wait3A_174 : memref<64x128xf32, #tpu.memory_space<hbm>>)
    %dma_wait3A_175 = arith.constant 0 : i32
    %dma_wait3A_176 = tpu.memref_slice %arg4[%mul3A_2, %dma_wait3A_175] : memref<204800x128xf32, #tpu.memory_space<hbm>> -> memref<64x128xf32, #tpu.memory_space<hbm>>
    %dma_wait3A_177 = arith.constant 0 : i32
    %dma_wait3A_178 = tpu.memref_slice %arg4[%mul3A_2, %dma_wait3A_177] : memref<204800x128xf32, #tpu.memory_space<hbm>> -> memref<64x128xf32, #tpu.memory_space<hbm>>
    tpu.wait_dma2 semaphore(%arg28 : memref<!tpu.dma_semaphore, #tpu.memory_space<semaphore_mem>>) src(%arg8 : memref<64x128xf32, #tpu.memory_space<vmem>>) dst(%dma_wait3A_178 : memref<64x128xf32, #tpu.memory_space<hbm>>)
    %dma_wait3A_179 = arith.constant 0 : i32
    %dma_wait3A_180 = tpu.memref_slice %arg4[%mul3A_2, %dma_wait3A_179] : memref<204800x128xf32, #tpu.memory_space<hbm>> -> memref<64x128xf32, #tpu.memory_space<hbm>>
    %dma_wait3A_181 = arith.constant 0 : i32
    %dma_wait3A_182 = tpu.memref_slice %arg4[%mul3A_2, %dma_wait3A_181] : memref<204800x128xf32, #tpu.memory_space<hbm>> -> memref<64x128xf32, #tpu.memory_space<hbm>>
    tpu.wait_dma2 semaphore(%arg29 : memref<!tpu.dma_semaphore, #tpu.memory_space<semaphore_mem>>) src(%arg9 : memref<64x128xf32, #tpu.memory_space<vmem>>) dst(%dma_wait3A_182 : memref<64x128xf32, #tpu.memory_space<hbm>>)
    %dma_wait3A_183 = arith.constant 0 : i32
    %dma_wait3A_184 = tpu.memref_slice %arg4[%mul3A_2, %dma_wait3A_183] : memref<204800x128xf32, #tpu.memory_space<hbm>> -> memref<64x128xf32, #tpu.memory_space<hbm>>
    %dma_wait3A_185 = arith.constant 0 : i32
    %dma_wait3A_186 = tpu.memref_slice %arg4[%mul3A_2, %dma_wait3A_185] : memref<204800x128xf32, #tpu.memory_space<hbm>> -> memref<64x128xf32, #tpu.memory_space<hbm>>
    tpu.wait_dma2 semaphore(%arg30 : memref<!tpu.dma_semaphore, #tpu.memory_space<semaphore_mem>>) src(%arg10 : memref<64x128xf32, #tpu.memory_space<vmem>>) dst(%dma_wait3A_186 : memref<64x128xf32, #tpu.memory_space<hbm>>)
    %dma_wait3A_187 = arith.constant 0 : i32
    %dma_wait3A_188 = tpu.memref_slice %arg4[%mul3A_2, %dma_wait3A_187] : memref<204800x128xf32, #tpu.memory_space<hbm>> -> memref<64x128xf32, #tpu.memory_space<hbm>>
    %dma_wait3A_189 = arith.constant 0 : i32
    %dma_wait3A_190 = tpu.memref_slice %arg4[%mul3A_2, %dma_wait3A_189] : memref<204800x128xf32, #tpu.memory_space<hbm>> -> memref<64x128xf32, #tpu.memory_space<hbm>>
    tpu.wait_dma2 semaphore(%arg31 : memref<!tpu.dma_semaphore, #tpu.memory_space<semaphore_mem>>) src(%arg11 : memref<64x128xf32, #tpu.memory_space<vmem>>) dst(%dma_wait3A_190 : memref<64x128xf32, #tpu.memory_space<hbm>>)
    %dma_wait3A_191 = arith.constant 0 : i32
    %dma_wait3A_192 = tpu.memref_slice %arg4[%mul3A_2, %dma_wait3A_191] : memref<204800x128xf32, #tpu.memory_space<hbm>> -> memref<64x128xf32, #tpu.memory_space<hbm>>
    %dma_wait3A_193 = arith.constant 0 : i32
    %dma_wait3A_194 = tpu.memref_slice %arg4[%mul3A_2, %dma_wait3A_193] : memref<204800x128xf32, #tpu.memory_space<hbm>> -> memref<64x128xf32, #tpu.memory_space<hbm>>
    tpu.wait_dma2 semaphore(%arg32 : memref<!tpu.dma_semaphore, #tpu.memory_space<semaphore_mem>>) src(%arg12 : memref<64x128xf32, #tpu.memory_space<vmem>>) dst(%dma_wait3A_194 : memref<64x128xf32, #tpu.memory_space<hbm>>)
    %dma_wait3A_195 = arith.constant 0 : i32
    %dma_wait3A_196 = tpu.memref_slice %arg4[%mul3A_2, %dma_wait3A_195] : memref<204800x128xf32, #tpu.memory_space<hbm>> -> memref<64x128xf32, #tpu.memory_space<hbm>>
    %dma_wait3A_197 = arith.constant 0 : i32
    %dma_wait3A_198 = tpu.memref_slice %arg4[%mul3A_2, %dma_wait3A_197] : memref<204800x128xf32, #tpu.memory_space<hbm>> -> memref<64x128xf32, #tpu.memory_space<hbm>>
    tpu.wait_dma2 semaphore(%arg33 : memref<!tpu.dma_semaphore, #tpu.memory_space<semaphore_mem>>) src(%arg13 : memref<64x128xf32, #tpu.memory_space<vmem>>) dst(%dma_wait3A_198 : memref<64x128xf32, #tpu.memory_space<hbm>>)
    %dma_wait3A_199 = arith.constant 0 : i32
    %dma_wait3A_200 = tpu.memref_slice %arg4[%mul3A_2, %dma_wait3A_199] : memref<204800x128xf32, #tpu.memory_space<hbm>> -> memref<64x128xf32, #tpu.memory_space<hbm>>
    %dma_wait3A_201 = arith.constant 0 : i32
    %dma_wait3A_202 = tpu.memref_slice %arg4[%mul3A_2, %dma_wait3A_201] : memref<204800x128xf32, #tpu.memory_space<hbm>> -> memref<64x128xf32, #tpu.memory_space<hbm>>
    tpu.wait_dma2 semaphore(%arg34 : memref<!tpu.dma_semaphore, #tpu.memory_space<semaphore_mem>>) src(%arg14 : memref<64x128xf32, #tpu.memory_space<vmem>>) dst(%dma_wait3A_202 : memref<64x128xf32, #tpu.memory_space<hbm>>)
    %dma_wait3A_203 = arith.constant 0 : i32
    %dma_wait3A_204 = tpu.memref_slice %arg4[%mul3A_2, %dma_wait3A_203] : memref<204800x128xf32, #tpu.memory_space<hbm>> -> memref<64x128xf32, #tpu.memory_space<hbm>>
    %dma_wait3A_205 = arith.constant 0 : i32
    %dma_wait3A_206 = tpu.memref_slice %arg4[%mul3A_2, %dma_wait3A_205] : memref<204800x128xf32, #tpu.memory_space<hbm>> -> memref<64x128xf32, #tpu.memory_space<hbm>>
    tpu.wait_dma2 semaphore(%arg35 : memref<!tpu.dma_semaphore, #tpu.memory_space<semaphore_mem>>) src(%arg15 : memref<64x128xf32, #tpu.memory_space<vmem>>) dst(%dma_wait3A_206 : memref<64x128xf32, #tpu.memory_space<hbm>>)
    return
  }
}

</mosaic_0001>

<sc_bundles>
// kernel: kernel.3.cloned.1.call-start
scs
__scs_entry_jumppad:
0x0: {  	(pc) =	sbr.rel $0x88, $3  }
0x1: {  	(tag) =	ssettag $0x0;
	lr =	simm.s32 $0x1  }
0x2: {  	[smem:$0x3F9F] =	sst lr;
	_ =	strace $0xD0000000  }
0x3: {  	_ = 	snop  }
0x4: {  	_ = 	snop  }
0x5: {  	_ = 	snop  }
0x6: {  	_ = 	snop  }
0x7: {  	_ = 	snop  }
__scs_overlays_trampoline_lowered:
0x8: {  	[smem:$0x3FAE] =	sst s0  }
0x9: {  	[smem:$0x3FAF] =	sst s1  }
0xa: {  	[smem:$0x3FB0] =	sst s2  }
0xb: {  	[smem:$0x3FB1] =	sst s3  }
0xc: {  	[smem:$0x3FB2] =	sst s4  }
0xd: {  	[smem:$0x3FB3] =	sst s5  }
0xe: {  	[smem:$0x3FB4] =	sst s6  }
0xf: {  	[smem:$0x3FB5] =	sst s7  }
0x10: {  	[smem:$0x3FB6] =	sst s8  }
0x11: {  	[smem:$0x3FB7] =	sst s9;
	s0 =	simm.s32 @!p0 $0x0  }
0x12: {  	s1 =	sld [smem:$0x3F9D];
	s0 =	simm.s32 @p0 $0x1  }
0x13: {  	[smem:$0x3FB8] =	sst s0;
	s0 =	simm.s32 @!p1 $0x0  }
0x14: {  	s2 =	sld [smem:$0x3F9C];
	s0 =	simm.s32 @p1 $0x1  }
0x15: {  	[smem:$0x3FB9] =	sst s0;
	s0 =	simm.s32 @!p2 $0x0  }
0x16: {  	s3 =	sld [smem:$0x3FDB];
	s0 =	simm.s32 @p2 $0x1  }
0x17: {  	s4 =	simm.s32 $0x1BF5;
	[smem:$0x3FBB] =	sst s0  }
0x18: {  	s0 =	sld [smem:$0x3F9E];
	_ =	swait.ge [sflag:s4], $0x0  }
0x19: {  	s7 =	sld [smem:$0x3F9F]  }
0x1a: {  	s8 =	sadd.s32 $0xFFFFE003, lr  }
0x1b: {  	s9 =	sadd.s32 $0xFFFFFEF7, lr;
	s5 =	simm.s32 $0xFFFFFFFF;
	p2 =	slt.u32 s8, $0xFFFFF086  }
0x1c: {  	p1 =	slt.u32 s9, $0xF7A;
	s5 =	simm.s32 @!p2 $0x0  }
0x1d: {  	s5 =	simm.s32 @p1 $0x1;
	p0 =	seq.s32 s7, s2  }
0x1e: {  	s7 =	smul.u32 @!p0 $0xF7A, s2;
	p2 =	seq.s32 @!p0 s5, $0x0  }
0x1f: {  	s9 =	smul.u32 $0xF7A, s1;
	s8 =	simm.s32 @!p0 $0x1BF5;
	p2 =	por !p2, p0  }
0x20: {  	[sflag:s8] =	ssyncset.s32 @!p0 $0xFFFFF086;
	s6 =	sadd.s32 @!p0 s3, s7;
	s7 =	simm.s32 @!p0 $0x108  }
0x21: {  	s3 =	sadd.s32 s3, s9;
	s6 =	sadd.s32 @!p0 $0x88, s6;
	s7 =	simm.s32 @p2 $0x1082  }
0x22: {  	[simem:s7], [sflag:s8] =	dma.local @!p0 [hbm:s6], $0xF7A  }
0x23: {  	s9 =	sor.u32 $0xD0000000, s2;
	s6 =	simm.s32 $0x108;
	_ =	swait.ge @!p0 [sflag:s8], $0x0  }
0x24: {  	s3 =	sadd.s32 $0x88, s3;
	s6 =	simm.s32 @!p1 $0x1082;
	[sflag:s4] =	ssyncset.s32 $0xFFFFF086  }
0x25: {  	[simem:s6], [sflag:s4] =	dma.local [hbm:s3], $0xF7A  }
0x26: {  	[smem:$0x3F9F] =	sst s1;
	(tag) =	ssettag s2;
	_ =	strace s9  }
0x27: {  	s1 =	sld [smem:$0x3FAF]  }
0x28: {  	s2 =	sld [smem:$0x3FB0]  }
0x29: {  	s4 =	sld [smem:$0x3FB2]  }
0x2a: {  	p0 =	seq.s32 s5, $0x0;
	s5 =	sld [smem:$0x3FB3]  }
0x2b: {  	s6 =	sld [smem:$0x3FB4]  }
0x2c: {  	s7 =	sld [smem:$0x3FB5]  }
0x2d: {  	s3 =	simm.s32 $0x108;
	s8 =	sld [smem:$0x3FB6]  }
0x2e: {  	s3 =	simm.s32 @!p0 $0x1082;
	s9 =	sld [smem:$0x3FB7]  }
0x2f: {  	lr =	sadd.s32 s0, s3;
	s0 =	sld [smem:$0x3FAE]  }
0x30: {  	s3 =	sld [smem:$0x3FB1]  }
0x31: {  	[smem:$0x3FBA] =	sst s10  }
0x32: {  	s10 =	sld [smem:$0x3FB8];
	_ =	sdelay $0x3  }
0x33: {  	p0 =	seq.s32 s10, $0x1;
	s10 =	sld [smem:$0x3FBA];
	_ =	sdelay $0x3  }
0x34: {  	[smem:$0x3FBA] =	sst s10  }
0x35: {  	s10 =	sld [smem:$0x3FB9];
	_ =	sdelay $0x3  }
0x36: {  	p1 =	seq.s32 s10, $0x1;
	s10 =	sld [smem:$0x3FBA];
	_ =	sdelay $0x3  }
0x37: {  	[smem:$0x3FBA] =	sst s10  }
0x38: {  	s10 =	sld [smem:$0x3FBB]  }
0x39: {  	_ = 	snop;
	(pc) =	sbr.ind lr, $3  }
0x3a: {  	_ = 	snop  }
0x3b: {  	_ = 	snop  }
0x3c: {  	p2 =	seq.s32 s10, $0x1;
	s10 =	sld [smem:$0x3FBA]  }
0x3d: {  	_ =	shalt  }
0x3e: {  	_ =	shalt  }
0x3f: {  	_ =	shalt  }
0x40: {  	_ =	shalt  }
0x41: {  	_ =	shalt  }
0x42: {  	_ =	shalt  }
0x43: {  	_ =	shalt  }
0x44: {  	_ =	shalt  }
0x45: {  	_ =	shalt  }
0x46: {  	_ =	shalt  }
0x47: {  	_ =	shalt  }
0x48: {  	_ =	shalt  }
0x49: {  	_ =	shalt  }
0x4a: {  	_ =	shalt  }
0x4b: {  	_ =	shalt  }
0x4c: {  	_ =	shalt  }
0x4d: {  	_ =	shalt  }
0x4e: {  	_ =	shalt  }
0x4f: {  	_ =	shalt  }
0x50: {  	_ =	shalt  }
0x51: {  	_ =	shalt  }
0x52: {  	_ =	shalt  }
0x53: {  	_ =	shalt  }
0x54: {  	_ =	shalt  }
0x55: {  	_ =	shalt  }
0x56: {  	_ =	shalt  }
0x57: {  	_ =	shalt  }
0x58: {  	_ =	shalt  }
0x59: {  	_ =	shalt  }
0x5a: {  	_ =	shalt  }
0x5b: {  	_ =	shalt  }
0x5c: {  	_ =	shalt  }
0x5d: {  	_ =	shalt  }
0x5e: {  	_ =	shalt  }
0x5f: {  	_ =	shalt  }
0x60: {  	_ =	shalt  }
0x61: {  	_ =	shalt  }
0x62: {  	_ =	shalt  }
0x63: {  	_ =	shalt  }
0x64: {  	_ =	shalt  }
0x65: {  	_ =	shalt  }
0x66: {  	_ =	shalt  }
0x67: {  	_ =	shalt  }
0x68: {  	_ =	shalt  }
0x69: {  	_ =	shalt  }
0x6a: {  	_ =	shalt  }
0x6b: {  	_ =	shalt  }
0x6c: {  	_ =	shalt  }
0x6d: {  	_ =	shalt  }
0x6e: {  	_ =	shalt  }
0x6f: {  	_ =	shalt  }
0x70: {  	_ =	shalt  }
0x71: {  	_ =	shalt  }
0x72: {  	_ =	shalt  }
0x73: {  	_ =	shalt  }
0x74: {  	_ =	shalt  }
0x75: {  	_ =	shalt  }
0x76: {  	_ =	shalt  }
0x77: {  	_ =	shalt  }
0x78: {  	_ =	shalt  }
0x79: {  	_ =	shalt  }
0x7a: {  	_ =	shalt  }
0x7b: {  	_ =	shalt  }
0x7c: {  	_ =	shalt  }
0x7d: {  	_ =	shalt  }
0x7e: {  	_ =	shalt  }
0x7f: {  	_ =	shalt  }
0x80: {  	_ =	shalt  }
0x81: {  	_ =	shalt  }
0x82: {  	_ =	shalt  }
0x83: {  	_ =	shalt  }
0x84: {  	_ =	shalt  }
0x85: {  	_ =	shalt  }
0x86: {  	_ =	shalt  }
0x87: {  	_ =	shalt  }
.Lfunc_end0:
.L_simem_size_0:
called_computation_lowered:
.L_overlay_start_0:
0x88: {  	s2 =	sld [smem:$0x3FD9]  }
0x89: {  	s3 =	sld [smem:$0x3FFE];
	_ =	sdelay $0x1  }
0x8a: {  	s1 =	srdreg.scid  }
0x8b: {  	s0 =	sand.u32 $0x1, s1  }
0x8c: {  	s17 =	sshll.u32 s0, $0xA;
	s2 =	sadd.s32 s3, s2  }
0x8d: {  	s2 =	sadd.s32 s2, s17  }
0x8e: {  	[smem:$0x3FC6] =	sst s2  }
0x8f: {  	_ = 	snop  }
0x90: {  	s2 =	sld [smem:$0x3FC8]  }
0x91: {  	s18 =	sld [smem:$0x3FD0];
	(tm) =	ssettm $0x1  }
0x92: {  	s4 =	sld [smem:$0x3FFB];
	_ =	sdelay $0x3  }
0x93: {  	_ =	strace s4  }
0x94: {  	s4 =	sld [smem:$0x3FFC];
	_ =	sdelay $0x3  }
0x95: {  	_ =	strace s4  }
0x96: {  	s4 =	sld [smem:$0x3FFD];
	_ =	sdelay $0x3  }
0x97: {  	_ =	strace s4  }
0x98: {  	_ =	strace $0x8FFFFFFF  }
0x99: {  	s19 =	sld [smem:$0x3FDB];
	_ =	sdelay $0x1  }
0x9a: {  	s5 =	simm.s32 $_scs_section_size  }
0x9b: {  	s6 =	simm.s32 $_size__tile_overlayer_lowered;
	s7 =	simm.s32 $_tile_overlayer_lowered  }
0x9c: {  	s22 =	simm.s32 $0x1BFF;
	s21 =	sshll.u32 s7, $0x1;
	s4 =	sadd.s32 s5, s19  }
0x9d: {  	s8 =	simm.s32 $0x0;
	s20 =	sshll.u32 s6, $0x1;
	s6 =	sadd.s32 s21, s4  }
0x9e: {  	[timem:s8], [sflag:s22] =	dma.local [hbm:s6], s20  }
0x9f: {  	_ =	swait.ge [sflag:s22], s20  }
0xa0: {  	s5 =	ssub.s32 $0x0, s20;
	[sflag:s22] =	ssyncset.done $0x0  }
0xa1: {  	[sflag:s22] =	ssyncadd.s32 s5;
	_ =	sdelay $0x1  }
0xa2: {  	s23 =	simm.s32 $0x1B8B  }
0xa3: {  	_ =	swait.ge [sflag:s23], $0x1  }
0xa4: {  	[sflag:s23] =	ssyncset.done $0x0  }
0xa5: {  	s25 =	simm.s32 $0x1B8E;
	s24 =	sld [smem:$0x3FFE];
	[sflag:s23] =	ssyncadd.s32 $0xFFFFFFFF  }
0xa6: {  	s26 =	simm.s32 $execute0_lowered;
	[smem:$0x3FD2] =	sst s25  }
0xa7: {  	s6 =	sshll.u32 s26, $0x1;
	_ =	strace $0x80000046;
	[dreg:$0x1] =	wrdreg $0xFFFFFFFF  }
0xa8: {  	s28 =	simm.s32 $_size_execute0_lowered;
	s4 =	sadd.s32 s4, s6;
	[dreg:$0x0] =	wrdreg $0x0  }
0xa9: {  	s6 =	sshll.u32 s28, $0x1;
	[dreg:$0x2] =	wrdreg s4  }
0xaa: {  	[dreg:$0x3] =	wrdreg s6  }
0xab: {  	[dreg:$0x4] =	wrdreg $0xC0  }
0xac: {  	_ =	task [dreg:s8], $0x5FFFF  }
0xad: {  	[dreg:$0x1] =	wrdreg $0xFFFFFFFF  }
0xae: {  	[dreg:$0x0] =	wrdreg $0x60  }
0xaf: {  	[dreg:$0x2] =	wrdreg s2  }
0xb0: {  	[dreg:$0x3] =	wrdreg s24  }
0xb1: {  	[dreg:$0x4] =	wrdreg s18  }
0xb2: {  	[dreg:$0x5] =	wrdreg $0x9  }
0xb3: {  	_ =	task.clear_ibuf [dreg:s8], $0x6FFFF;
	_ =	strace $0x90000046  }
0xb4: {  	s29 =	simm.s32 $0x9;
	_ =	strace $0x80000048  }
0xb5: {  	_ =	swait.ge [sflag:s29], $0x1  }
0xb6: {  	[sflag:s29] =	ssyncadd.s32 $0xFFFFFFFF  }
0xb7: {  	_ =	strace $0x90000048  }
0xb8: {  	_ =	sfence  }
0xb9: {  	s30 =	sld [smem:$0x0];
	_ =	sdelay $0x2  }
0xba: {  	s31 =	sshll.u32 s1, $0xD;
	s1 =	sshrl.u32 s1, $0x2  }
0xbb: {  	s3 =	sand.u32 $0x4000, s31;
	s1 =	sadd.s32 s1, s30  }
0xbc: {  	s0 =	sor.u32 s3, s0;
	s1 =	sshll.u32 s1, $0x11  }
0xbd: {  	s0 =	sor.u32 s1, s0  }
0xbe: {  	s0 =	sadd.s32 $0x8F2B, s0  }
0xbf: {  	[sflag:s0] =	ssyncadd.remote.s32 $0x1  }
0xc0: {  	_ =	sfence.sel $0xFFFF  }
0xc1: {  	[dreg:$0x0] =	wrdreg $0xFFFFFFFF;
	(pc) =	sbr.abs _section_cstart, $3  }
0xc2: {  	[dreg:$0x1] =	wrdreg $0xFFFFFFFF  }
0xc3: {  	_ =	task.clear_ibuf [dreg:s8], $0x2FFFF;
	_ =	strace $0x9FFFFFFF  }
0xc4: {  	(tm) =	ssettm $0x7FFFFFFF  }
0xc5: {  	_ =	shalt  }
tec
execute0_lowered:
.L_overlay_start_1:
0x0: {  	(tag) =	ssettag $0x1  }
0x1: {  	s1 =	rddreg [dreg:$0x0]  }
0x2: {  	s0 =	srdreg.scid;
	s2 =	rddreg [dreg:$0x1]  }
0x3: {  	s8 =	stileid.u32;
	s4 =	rddreg [dreg:$0x2];
	s18 =	simm.s32 $0x40  }
0x4: {  	s9 =	simm.s32 $0xA;
	s0 =	sand.u32 $0x1, s0;
	s3 =	sshll.u32 s8, $0x1  }
0x5: {  	s10 =	simm.s32 $0xB;
	s11 =	simm.s32 $0xC;
	s5 =	sor.u32 s0, s3  }
0x6: {  	s12 =	simm.s32 $0xD;
	s13 =	simm.s32 $0xE;
	s6 =	smul.u32 $0x1900, s5  }
0x7: {  	s14 =	simm.s32 $0xF;
	s15 =	simm.s32 $0x10;
	s5 =	smul.u32 $0xC8000, s5  }
0x8: {  	s17 =	simm.s32 $0x11;
	s16 =	simm.s32 $0x12;
	s6 =	sshrl.u32 s6, $0x3  }
0x9: {  	s3 =	simm.s32 $0x0;
	s5 =	sshrl.u32 s5, $0x3;
	s2 =	sadd.s32 s6, s2  }
0xa: {  	[smem:$0x7FF] =	sst s3;
	s20 =	sadd.s32 s4, s5;
	s2 =	sadd.s32 $0x400, s2  }
0xb: {  	_ =	strace $0x80000047;
	s5 =	sadd.s32 $0x16800, s20;
	[dreg:$0x4] =	wrdreg s2  }
0xc: {  	s25 =	smul.u32 $0x32000, s8;
	s21 =	sadd.s32 $0x16C00, s20;
	[dreg:$0x5] =	wrdreg s5  }
0xd: {  	s8 =	simm.s32 $0x9;
	s22 =	sadd.s32 $0x17000, s20;
	[dreg:$0x6] =	wrdreg s21  }
0xe: {  	s7 =	ssub.s32 $0x2, s0;
	s23 =	sadd.s32 $0x17400, s20;
	[dreg:$0x7] =	wrdreg s22  }
0xf: {  	s0 =	smul.u32 $0x19000, s0;
	s24 =	sadd.s32 $0x17800, s20;
	[dreg:$0x8] =	wrdreg s23  }
0x10: {  	s19 =	sshrl.u32 s7, $0x1;
	s26 =	sadd.s32 $0x17C00, s20;
	[dreg:$0x9] =	wrdreg s24  }
0x11: {  	s6 =	ssub.s32 s7, s19;
	s28 =	sadd.s32 $0x18000, s20;
	[dreg:$0xa] =	wrdreg s26  }
0x12: {  	s4 =	sadd.s32 s25, s4;
	s29 =	sadd.s32 $0x18400, s20;
	[dreg:$0xb] =	wrdreg s28  }
0x13: {  	s7 =	simm.s32 $0x8;
	s30 =	sadd.s32 $0x18800, s20;
	[dreg:$0xc] =	wrdreg s29  }
0x14: {  	s19 =	simm.s32 $0x13;
	s31 =	smax.u32 s6, $0x1;
	[dreg:$0xd] =	wrdreg s30  }
0x15: {  	s0 =	sadd.s32 s0, s4;
	s2 =	sadd.s32 $0x18C00, s20;
	[dreg:$0xf] =	wrdreg s31  }
0x16: {  	s6 =	simm.s32 $0x7;
	s0 =	sadd.s32 $0x2400, s0;
	[dreg:$0xe] =	wrdreg s2  }
0x17: {  	s20 =	simm.s32 $0x14;
	[dreg:$0x10] =	wrdreg s0;
	s0 =	simm.s32 $0x0  }
.LBB2_1:
0x18: {  	[dreg:$0x11] =	wrdreg s0  }
0x19: {  	s22 =	rddreg [dreg:$0x4];
	s26 =	simm.s32 $0x15  }
0x1a: {  	[tilespmem:s3], [sflag:$0x15] =	stream.linear.gather [hbm4b:s22+s3], $0x1900, $0x38;
	[tilespmem:$0x15900] =	vst v63  }
0x1b: {  	_ =	swait.ge [sflag:s26], $0x1900  }
0x1c: {  	[sflag:s26] =	ssyncset.done $0x0  }
0x1d: {  	s0 =	simm.s32 $0x1900;
	[sflag:s26] =	ssyncadd.s32 $0xFFFFE700  }
0x1e: {  	[tilespmem:s0], [sflag:$0x1] =	stream.indirect.gather [hbm4b:s1+s18], $0x80, s3, s18, $0xb8;
	[tilespmem:$0x15900] =	vst v63  }
0x1f: {  	s23 =	simm.s32 $0x3900  }
0x20: {  	[tilespmem:s23], [sflag:$0x2] =	stream.indirect.gather [hbm4b:s1+s18], $0x80, s18, s18, $0xb8;
	[tilespmem:$0x15900] =	vst v63  }
0x21: {  	s28 =	simm.s32 $0x80;
	s26 =	simm.s32 $0x5900  }
0x22: {  	[tilespmem:s26], [sflag:$0x3] =	stream.indirect.gather [hbm4b:s1+s18], $0x80, s28, s18, $0xb8;
	[tilespmem:$0x15900] =	vst v63  }
0x23: {  	s29 =	simm.s32 $0xC0;
	s28 =	simm.s32 $0x7900  }
0x24: {  	[tilespmem:s28], [sflag:$0x4] =	stream.indirect.gather [hbm4b:s1+s18], $0x80, s29, s18, $0xb8;
	[tilespmem:$0x15900] =	vst v63  }
0x25: {  	s30 =	simm.s32 $0x100;
	s2 =	simm.s32 $0x9900  }
0x26: {  	[tilespmem:s2], [sflag:$0x5] =	stream.indirect.gather [hbm4b:s1+s18], $0x80, s30, s18, $0xb8;
	[tilespmem:$0x15900] =	vst v63  }
0x27: {  	s31 =	simm.s32 $0x140;
	s21 =	simm.s32 $0xB900  }
0x28: {  	[tilespmem:s21], [sflag:$0x6] =	stream.indirect.gather [hbm4b:s1+s18], $0x80, s31, s18, $0xb8;
	[tilespmem:$0x15900] =	vst v63  }
0x29: {  	s4 =	simm.s32 $0x180;
	s25 =	simm.s32 $0xD900  }
0x2a: {  	[tilespmem:s25], [sflag:$0x7] =	stream.indirect.gather [hbm4b:s1+s18], $0x80, s4, s18, $0xb8;
	[tilespmem:$0x15900] =	vst v63  }
0x2b: {  	s5 =	simm.s32 $0x1C0;
	s29 =	simm.s32 $0xF900  }
0x2c: {  	[tilespmem:s29], [sflag:$0x8] =	stream.indirect.gather [hbm4b:s1+s18], $0x80, s5, s18, $0xb8;
	[tilespmem:$0x15900] =	vst v63  }
0x2d: {  	s30 =	simm.s32 $0x11900;
	s4 =	simm.s32 $0x200  }
0x2e: {  	[tilespmem:s30], [sflag:$0x9] =	stream.indirect.gather [hbm4b:s1+s18], $0x80, s4, s18, $0xb8;
	[tilespmem:$0x15900] =	vst v63  }
0x2f: {  	s24 =	simm.s32 $0x240;
	s31 =	simm.s32 $0x1;
	s5 =	simm.s32 $0x13900  }
0x30: {  	[tilespmem:s5], [sflag:$0xA] =	stream.indirect.gather [hbm4b:s1+s18], $0x80, s24, s18, $0xb8;
	[tilespmem:$0x15900] =	vst v63  }
0x31: {  	_ =	swait.ge [sflag:s31], $0x2000  }
0x32: {  	[sflag:s31] =	ssyncset.done $0x0;
	s24 =	rddreg [dreg:$0x10]  }
0x33: {  	[sflag:s31] =	ssyncadd.s32 $0xFFFFE000;
	s4 =	sadd.s32 $0xFFFFDC00, s24;
	s31 =	simm.s32 $0x2  }
0x34: {  	[hbm4b:s4+s3] =	stream.linear.scatter [tilespmem:s0], [sflag:$0xB], $0x2000, $0x38;
	[tilespmem:$0x15900] =	vst v63  }
0x35: {  	_ =	swait.ge [sflag:s31], $0x2000  }
0x36: {  	[sflag:s31] =	ssyncset.done $0x0  }
0x37: {  	s4 =	sadd.s32 $0xFFFFE000, s24;
	[sflag:s31] =	ssyncadd.s32 $0xFFFFE000;
	s31 =	simm.s32 $0x3  }
0x38: {  	[hbm4b:s4+s3] =	stream.linear.scatter [tilespmem:s23], [sflag:$0xC], $0x2000, $0x38;
	[tilespmem:$0x15900] =	vst v63  }
0x39: {  	_ =	swait.ge [sflag:s31], $0x2000  }
0x3a: {  	[sflag:s31] =	ssyncset.done $0x0  }
0x3b: {  	s4 =	sadd.s32 $0xFFFFE400, s24;
	[sflag:s31] =	ssyncadd.s32 $0xFFFFE000;
	s31 =	simm.s32 $0x4  }
0x3c: {  	[hbm4b:s4+s3] =	stream.linear.scatter [tilespmem:s26], [sflag:$0xD], $0x2000, $0x38;
	[tilespmem:$0x15900] =	vst v63  }
0x3d: {  	_ =	swait.ge [sflag:s31], $0x2000  }
0x3e: {  	[sflag:s31] =	ssyncset.done $0x0  }
0x3f: {  	s4 =	sadd.s32 $0xFFFFE800, s24;
	[sflag:s31] =	ssyncadd.s32 $0xFFFFE000;
	s31 =	simm.s32 $0x5  }
0x40: {  	[hbm4b:s4+s3] =	stream.linear.scatter [tilespmem:s28], [sflag:$0xE], $0x2000, $0x38;
	[tilespmem:$0x15900] =	vst v63  }
0x41: {  	_ =	swait.ge [sflag:s31], $0x2000  }
0x42: {  	[sflag:s31] =	ssyncset.done $0x0  }
0x43: {  	s22 =	simm.s32 $0x6;
	s4 =	sadd.s32 $0xFFFFEC00, s24;
	[sflag:s31] =	ssyncadd.s32 $0xFFFFE000  }
0x44: {  	[hbm4b:s4+s3] =	stream.linear.scatter [tilespmem:s2], [sflag:$0xF], $0x2000, $0x38;
	[tilespmem:$0x15900] =	vst v63  }
0x45: {  	_ =	swait.ge [sflag:s22], $0x2000  }
0x46: {  	[sflag:s22] =	ssyncset.done $0x0  }
0x47: {  	s31 =	sadd.s32 $0xFFFFF000, s24;
	[sflag:s22] =	ssyncadd.s32 $0xFFFFE000  }
0x48: {  	[hbm4b:s31+s3] =	stream.linear.scatter [tilespmem:s21], [sflag:$0x10], $0x2000, $0x38;
	[tilespmem:$0x15900] =	vst v63  }
0x49: {  	_ =	swait.ge [sflag:s6], $0x2000  }
0x4a: {  	[sflag:s6] =	ssyncset.done $0x0  }
0x4b: {  	s4 =	sadd.s32 $0xFFFFF400, s24;
	[sflag:s6] =	ssyncadd.s32 $0xFFFFE000  }
0x4c: {  	[hbm4b:s4+s3] =	stream.linear.scatter [tilespmem:s25], [sflag:$0x11], $0x2000, $0x38;
	[tilespmem:$0x15900] =	vst v63  }
0x4d: {  	_ =	swait.ge [sflag:s7], $0x2000  }
0x4e: {  	[sflag:s7] =	ssyncset.done $0x0  }
0x4f: {  	s31 =	sadd.s32 $0xFFFFF800, s24;
	[sflag:s7] =	ssyncadd.s32 $0xFFFFE000  }
0x50: {  	[hbm4b:s31+s3] =	stream.linear.scatter [tilespmem:s29], [sflag:$0x12], $0x2000, $0x38;
	[tilespmem:$0x15900] =	vst v63  }
0x51: {  	_ =	swait.ge [sflag:s8], $0x2000  }
0x52: {  	[sflag:s8] =	ssyncset.done $0x0  }
0x53: {  	s4 =	sadd.s32 $0xFFFFFC00, s24;
	[sflag:s8] =	ssyncadd.s32 $0xFFFFE000  }
0x54: {  	[hbm4b:s4+s3] =	stream.linear.scatter [tilespmem:s30], [sflag:$0x13], $0x2000, $0x38;
	[tilespmem:$0x15900] =	vst v63  }
0x55: {  	_ =	swait.ge [sflag:s9], $0x2000  }
0x56: {  	[sflag:s9] =	ssyncset.done $0x0  }
0x57: {  	[sflag:s9] =	ssyncadd.s32 $0xFFFFE000  }
0x58: {  	[hbm4b:s24+s3] =	stream.linear.scatter [tilespmem:s5], [sflag:$0x14], $0x2000, $0x38;
	[tilespmem:$0x15900] =	vst v63  }
0x59: {  	_ =	swait.ge [sflag:s10], $0x2000  }
0x5a: {  	[sflag:s10] =	ssyncset.done $0x0  }
0x5b: {  	s5 =	simm.s32 $0x280;
	[sflag:s10] =	ssyncadd.s32 $0xFFFFE000  }
0x5c: {  	[tilespmem:s0], [sflag:$0x1] =	stream.indirect.gather [hbm4b:s1+s18], $0x80, s5, s18, $0xb8;
	[tilespmem:$0x15900] =	vst v63  }
0x5d: {  	_ =	swait.ge [sflag:s11], $0x2000  }
0x5e: {  	[sflag:s11] =	ssyncset.done $0x0  }
0x5f: {  	s31 =	simm.s32 $0x2C0;
	[sflag:s11] =	ssyncadd.s32 $0xFFFFE000  }
0x60: {  	[tilespmem:s23], [sflag:$0x2] =	stream.indirect.gather [hbm4b:s1+s18], $0x80, s31, s18, $0xb8;
	[tilespmem:$0x15900] =	vst v63  }
0x61: {  	_ =	swait.ge [sflag:s12], $0x2000  }
0x62: {  	[sflag:s12] =	ssyncset.done $0x0  }
0x63: {  	s0 =	simm.s32 $0x300;
	[sflag:s12] =	ssyncadd.s32 $0xFFFFE000  }
0x64: {  	[tilespmem:s26], [sflag:$0x3] =	stream.indirect.gather [hbm4b:s1+s18], $0x80, s0, s18, $0xb8;
	[tilespmem:$0x15900] =	vst v63  }
0x65: {  	_ =	swait.ge [sflag:s13], $0x2000  }
0x66: {  	[sflag:s13] =	ssyncset.done $0x0  }
0x67: {  	s4 =	simm.s32 $0x340;
	[sflag:s13] =	ssyncadd.s32 $0xFFFFE000  }
0x68: {  	[tilespmem:s28], [sflag:$0x4] =	stream.indirect.gather [hbm4b:s1+s18], $0x80, s4, s18, $0xb8;
	[tilespmem:$0x15900] =	vst v63  }
0x69: {  	_ =	swait.ge [sflag:s14], $0x2000  }
0x6a: {  	[sflag:s14] =	ssyncset.done $0x0  }
0x6b: {  	s5 =	simm.s32 $0x380;
	[sflag:s14] =	ssyncadd.s32 $0xFFFFE000  }
0x6c: {  	[tilespmem:s2], [sflag:$0x5] =	stream.indirect.gather [hbm4b:s1+s18], $0x80, s5, s18, $0xb8;
	[tilespmem:$0x15900] =	vst v63  }
0x6d: {  	_ =	swait.ge [sflag:s15], $0x2000  }
0x6e: {  	[sflag:s15] =	ssyncset.done $0x0  }
0x6f: {  	s23 =	simm.s32 $0x3C0;
	[sflag:s15] =	ssyncadd.s32 $0xFFFFE000  }
0x70: {  	[tilespmem:s21], [sflag:$0x6] =	stream.indirect.gather [hbm4b:s1+s18], $0x80, s23, s18, $0xb8;
	[tilespmem:$0x15900] =	vst v63  }
0x71: {  	_ =	swait.ge [sflag:s17], $0x2000  }
0x72: {  	[sflag:s17] =	ssyncset.done $0x0  }
0x73: {  	s26 =	simm.s32 $0x400;
	[sflag:s17] =	ssyncadd.s32 $0xFFFFE000  }
0x74: {  	[tilespmem:s25], [sflag:$0x7] =	stream.indirect.gather [hbm4b:s1+s18], $0x80, s26, s18, $0xb8;
	[tilespmem:$0x15900] =	vst v63  }
0x75: {  	_ =	swait.ge [sflag:s16], $0x2000  }
0x76: {  	[sflag:s16] =	ssyncset.done $0x0  }
0x77: {  	s28 =	simm.s32 $0x440;
	[sflag:s16] =	ssyncadd.s32 $0xFFFFE000  }
0x78: {  	[tilespmem:s29], [sflag:$0x8] =	stream.indirect.gather [hbm4b:s1+s18], $0x80, s28, s18, $0xb8;
	[tilespmem:$0x15900] =	vst v63  }
0x79: {  	_ =	swait.ge [sflag:s19], $0x2000  }
0x7a: {  	[sflag:s19] =	ssyncset.done $0x0  }
0x7b: {  	s31 =	simm.s32 $0x480;
	[sflag:s19] =	ssyncadd.s32 $0xFFFFE000  }
0x7c: {  	[tilespmem:s30], [sflag:$0x9] =	stream.indirect.gather [hbm4b:s1+s18], $0x80, s31, s18, $0xb8;
	[tilespmem:$0x15900] =	vst v63  }
0x7d: {  	_ =	swait.ge [sflag:s20], $0x2000  }
0x7e: {  	s22 =	simm.s32 $0xA00;
	[sflag:s20] =	ssyncset.done $0x0  }
0x7f: {  	s24 =	sadd.s32 $0x2800, s24;
	s26 =	simm.s32 $0x4C0;
	[sflag:s20] =	ssyncadd.s32 $0xFFFFE000  }
.LBB2_2:
0x80: {  	s0 =	simm.s32 $0x13900  }
0x81: {  	[tilespmem:s0], [sflag:$0xA] =	stream.indirect.gather [hbm4b:s1+s18], $0x80, s26, s18, $0xb8;
	[tilespmem:$0x15900] =	vst v63  }
0x82: {  	s2 =	simm.s32 $0x1;
	s26 =	smov.u32 s22  }
0x83: {  	p0 =	sne.s32 s22, $0x5000;
	s22 =	sadd.s32 $0xA00, s22;
	_ =	swait.ge [sflag:s2], $0x2000  }
0x84: {  	s29 =	sadd.s32 $0xFFFFDC00, s24;
	[sflag:s2] =	ssyncset.done $0x0  }
0x85: {  	s31 =	simm.s32 $0x1900;
	[sflag:s2] =	ssyncadd.s32 $0xFFFFE000;
	s2 =	simm.s32 $0x2  }
0x86: {  	[hbm4b:s29+s3] =	stream.linear.scatter [tilespmem:s31], [sflag:$0xB], $0x2000, $0x38;
	[tilespmem:$0x15900] =	vst v63  }
0x87: {  	_ =	swait.ge [sflag:s2], $0x2000  }
0x88: {  	s23 =	simm.s32 $0x3900;
	[sflag:s2] =	ssyncset.done $0x0  }
0x89: {  	s29 =	sadd.s32 $0xFFFFE000, s24;
	[sflag:s2] =	ssyncadd.s32 $0xFFFFE000;
	s2 =	simm.s32 $0x3  }
0x8a: {  	[hbm4b:s29+s3] =	stream.linear.scatter [tilespmem:s23], [sflag:$0xC], $0x2000, $0x38;
	[tilespmem:$0x15900] =	vst v63  }
0x8b: {  	_ =	swait.ge [sflag:s2], $0x2000  }
0x8c: {  	s28 =	simm.s32 $0x5900;
	[sflag:s2] =	ssyncset.done $0x0  }
0x8d: {  	s29 =	sadd.s32 $0xFFFFE400, s24;
	[sflag:s2] =	ssyncadd.s32 $0xFFFFE000;
	s2 =	simm.s32 $0x4  }
0x8e: {  	[hbm4b:s29+s3] =	stream.linear.scatter [tilespmem:s28], [sflag:$0xD], $0x2000, $0x38;
	[tilespmem:$0x15900] =	vst v63  }
0x8f: {  	_ =	swait.ge [sflag:s2], $0x2000  }
0x90: {  	s30 =	simm.s32 $0x7900;
	[sflag:s2] =	ssyncset.done $0x0  }
0x91: {  	s29 =	sadd.s32 $0xFFFFE800, s24;
	[sflag:s2] =	ssyncadd.s32 $0xFFFFE000;
	s2 =	simm.s32 $0x5  }
0x92: {  	[hbm4b:s29+s3] =	stream.linear.scatter [tilespmem:s30], [sflag:$0xE], $0x2000, $0x38;
	[tilespmem:$0x15900] =	vst v63  }
0x93: {  	_ =	swait.ge [sflag:s2], $0x2000  }
0x94: {  	s4 =	simm.s32 $0x6;
	[sflag:s2] =	ssyncset.done $0x0  }
0x95: {  	s29 =	sadd.s32 $0xFFFFEC00, s24;
	[sflag:s2] =	ssyncadd.s32 $0xFFFFE000;
	s2 =	simm.s32 $0x9900  }
0x96: {  	[hbm4b:s29+s3] =	stream.linear.scatter [tilespmem:s2], [sflag:$0xF], $0x2000, $0x38;
	[tilespmem:$0x15900] =	vst v63  }
0x97: {  	_ =	swait.ge [sflag:s4], $0x2000  }
0x98: {  	[sflag:s4] =	ssyncset.done $0x0  }
0x99: {  	s21 =	simm.s32 $0xB900;
	s29 =	sadd.s32 $0xFFFFF000, s24;
	[sflag:s4] =	ssyncadd.s32 $0xFFFFE000  }
0x9a: {  	[hbm4b:s29+s3] =	stream.linear.scatter [tilespmem:s21], [sflag:$0x10], $0x2000, $0x38;
	[tilespmem:$0x15900] =	vst v63  }
0x9b: {  	_ =	swait.ge [sflag:s6], $0x2000  }
0x9c: {  	[sflag:s6] =	ssyncset.done $0x0  }
0x9d: {  	s25 =	simm.s32 $0xD900;
	s29 =	sadd.s32 $0xFFFFF400, s24;
	[sflag:s6] =	ssyncadd.s32 $0xFFFFE000  }
0x9e: {  	[hbm4b:s29+s3] =	stream.linear.scatter [tilespmem:s25], [sflag:$0x11], $0x2000, $0x38;
	[tilespmem:$0x15900] =	vst v63  }
0x9f: {  	_ =	swait.ge [sflag:s7], $0x2000  }
0xa0: {  	[sflag:s7] =	ssyncset.done $0x0  }
0xa1: {  	s4 =	simm.s32 $0xF900;
	s29 =	sadd.s32 $0xFFFFF800, s24;
	[sflag:s7] =	ssyncadd.s32 $0xFFFFE000  }
0xa2: {  	[hbm4b:s29+s3] =	stream.linear.scatter [tilespmem:s4], [sflag:$0x12], $0x2000, $0x38;
	[tilespmem:$0x15900] =	vst v63  }
0xa3: {  	_ =	swait.ge [sflag:s8], $0x2000  }
0xa4: {  	[sflag:s8] =	ssyncset.done $0x0  }
0xa5: {  	s5 =	simm.s32 $0x11900;
	s29 =	sadd.s32 $0xFFFFFC00, s24;
	[sflag:s8] =	ssyncadd.s32 $0xFFFFE000  }
0xa6: {  	[hbm4b:s29+s3] =	stream.linear.scatter [tilespmem:s5], [sflag:$0x13], $0x2000, $0x38;
	[tilespmem:$0x15900] =	vst v63  }
0xa7: {  	_ =	swait.ge [sflag:s9], $0x2000  }
0xa8: {  	[sflag:s9] =	ssyncset.done $0x0  }
0xa9: {  	[sflag:s9] =	ssyncadd.s32 $0xFFFFE000  }
0xaa: {  	[hbm4b:s24+s3] =	stream.linear.scatter [tilespmem:s0], [sflag:$0x14], $0x2000, $0x38;
	[tilespmem:$0x15900] =	vst v63  }
0xab: {  	_ =	swait.ge [sflag:s10], $0x2000  }
0xac: {  	s26 =	sshra.s32 s26, $0x2;
	[sflag:s10] =	ssyncset.done $0x0  }
0xad: {  	s29 =	sadd.s32 $0x280, s26;
	s0 =	simm.s32 $0x1900;
	[sflag:s10] =	ssyncadd.s32 $0xFFFFE000  }
0xae: {  	[tilespmem:s31], [sflag:$0x1] =	stream.indirect.gather [hbm4b:s1+s18], $0x80, s29, s18, $0xb8;
	[tilespmem:$0x15900] =	vst v63  }
0xaf: {  	_ =	swait.ge [sflag:s11], $0x2000  }
0xb0: {  	[sflag:s11] =	ssyncset.done $0x0  }
0xb1: {  	s29 =	sadd.s32 $0x2C0, s26;
	s31 =	simm.s32 $0x3900;
	[sflag:s11] =	ssyncadd.s32 $0xFFFFE000  }
0xb2: {  	[tilespmem:s23], [sflag:$0x2] =	stream.indirect.gather [hbm4b:s1+s18], $0x80, s29, s18, $0xb8;
	[tilespmem:$0x15900] =	vst v63  }
0xb3: {  	_ =	swait.ge [sflag:s12], $0x2000  }
0xb4: {  	[sflag:s12] =	ssyncset.done $0x0  }
0xb5: {  	s29 =	sadd.s32 $0x300, s26;
	s23 =	simm.s32 $0x5900;
	[sflag:s12] =	ssyncadd.s32 $0xFFFFE000  }
0xb6: {  	[tilespmem:s28], [sflag:$0x3] =	stream.indirect.gather [hbm4b:s1+s18], $0x80, s29, s18, $0xb8;
	[tilespmem:$0x15900] =	vst v63  }
0xb7: {  	_ =	swait.ge [sflag:s13], $0x2000  }
0xb8: {  	[sflag:s13] =	ssyncset.done $0x0  }
0xb9: {  	s29 =	sadd.s32 $0x340, s26;
	s28 =	simm.s32 $0x7900;
	[sflag:s13] =	ssyncadd.s32 $0xFFFFE000  }
0xba: {  	[tilespmem:s30], [sflag:$0x4] =	stream.indirect.gather [hbm4b:s1+s18], $0x80, s29, s18, $0xb8;
	[tilespmem:$0x15900] =	vst v63  }
0xbb: {  	_ =	swait.ge [sflag:s14], $0x2000  }
0xbc: {  	[sflag:s14] =	ssyncset.done $0x0  }
0xbd: {  	s29 =	sadd.s32 $0x380, s26;
	s30 =	simm.s32 $0x9900;
	[sflag:s14] =	ssyncadd.s32 $0xFFFFE000  }
0xbe: {  	[tilespmem:s2], [sflag:$0x5] =	stream.indirect.gather [hbm4b:s1+s18], $0x80, s29, s18, $0xb8;
	[tilespmem:$0x15900] =	vst v63  }
0xbf: {  	_ =	swait.ge [sflag:s15], $0x2000  }
0xc0: {  	[sflag:s15] =	ssyncset.done $0x0  }
0xc1: {  	s29 =	sadd.s32 $0x3C0, s26;
	s2 =	simm.s32 $0xB900;
	[sflag:s15] =	ssyncadd.s32 $0xFFFFE000  }
0xc2: {  	[tilespmem:s21], [sflag:$0x6] =	stream.indirect.gather [hbm4b:s1+s18], $0x80, s29, s18, $0xb8;
	[tilespmem:$0x15900] =	vst v63  }
0xc3: {  	_ =	swait.ge [sflag:s17], $0x2000  }
0xc4: {  	[sflag:s17] =	ssyncset.done $0x0  }
0xc5: {  	s29 =	sadd.s32 $0x400, s26;
	s21 =	simm.s32 $0xD900;
	[sflag:s17] =	ssyncadd.s32 $0xFFFFE000  }
0xc6: {  	[tilespmem:s25], [sflag:$0x7] =	stream.indirect.gather [hbm4b:s1+s18], $0x80, s29, s18, $0xb8;
	[tilespmem:$0x15900] =	vst v63  }
0xc7: {  	_ =	swait.ge [sflag:s16], $0x2000  }
0xc8: {  	[sflag:s16] =	ssyncset.done $0x0  }
0xc9: {  	s29 =	sadd.s32 $0x440, s26;
	s25 =	simm.s32 $0xF900;
	[sflag:s16] =	ssyncadd.s32 $0xFFFFE000  }
0xca: {  	[tilespmem:s4], [sflag:$0x8] =	stream.indirect.gather [hbm4b:s1+s18], $0x80, s29, s18, $0xb8;
	[tilespmem:$0x15900] =	vst v63  }
0xcb: {  	_ =	swait.ge [sflag:s19], $0x2000  }
0xcc: {  	s29 =	sadd.s32 $0x480, s26;
	[sflag:s19] =	ssyncset.done $0x0  }
.Ltmp0:
0xcd: {  	s4 =	simm.s32 $0x11900;
	[sflag:s19] =	ssyncadd.s32 $0xFFFFE000;
	(pc) =	sbr.rel @p0 .LBB2_2-.Ltmp0, $4  }
0xce: {  	[tilespmem:s5], [sflag:$0x9] =	stream.indirect.gather [hbm4b:s1+s18], $0x80, s29, s18, $0xb8;
	[tilespmem:$0x15900] =	vst v63  }
0xcf: {  	_ =	swait.ge [sflag:s20], $0x2000  }
0xd0: {  	[sflag:s20] =	ssyncset.done $0x0  }
0xd1: {  	s24 =	sadd.s32 $0x2800, s24;
	s26 =	sadd.s32 $0x4C0, s26;
	[sflag:s20] =	ssyncadd.s32 $0xFFFFE000  }
0xd2: {  	s5 =	simm.s32 $0x13900;
	s22 =	simm.s32 $0x1  }
0xd3: {  	[tilespmem:s5], [sflag:$0xA] =	stream.indirect.gather [hbm4b:s1+s18], $0x80, s26, s18, $0xb8;
	[tilespmem:$0x15900] =	vst v63  }
0xd4: {  	_ =	swait.ge [sflag:s22], $0x2000  }
0xd5: {  	[sflag:s22] =	ssyncset.done $0x0  }
0xd6: {  	s29 =	simm.s32 $0x2;
	s26 =	rddreg [dreg:$0x5];
	[sflag:s22] =	ssyncadd.s32 $0xFFFFE000  }
0xd7: {  	[hbm4b:s26+s3] =	stream.linear.scatter [tilespmem:s0], [sflag:$0xB], $0x2000, $0x38;
	[tilespmem:$0x15900] =	vst v63  }
0xd8: {  	_ =	swait.ge [sflag:s29], $0x2000  }
0xd9: {  	[sflag:s29] =	ssyncset.done $0x0  }
0xda: {  	s22 =	simm.s32 $0x3;
	s0 =	rddreg [dreg:$0x6];
	[sflag:s29] =	ssyncadd.s32 $0xFFFFE000  }
0xdb: {  	[hbm4b:s0+s3] =	stream.linear.scatter [tilespmem:s31], [sflag:$0xC], $0x2000, $0x38;
	[tilespmem:$0x15900] =	vst v63  }
0xdc: {  	_ =	swait.ge [sflag:s22], $0x2000  }
0xdd: {  	[sflag:s22] =	ssyncset.done $0x0  }
0xde: {  	s26 =	simm.s32 $0x4;
	s24 =	rddreg [dreg:$0x7];
	[sflag:s22] =	ssyncadd.s32 $0xFFFFE000  }
0xdf: {  	[hbm4b:s24+s3] =	stream.linear.scatter [tilespmem:s23], [sflag:$0xD], $0x2000, $0x38;
	[tilespmem:$0x15900] =	vst v63  }
0xe0: {  	_ =	swait.ge [sflag:s26], $0x2000  }
0xe1: {  	[sflag:s26] =	ssyncset.done $0x0  }
0xe2: {  	s31 =	simm.s32 $0x5;
	s29 =	rddreg [dreg:$0x8];
	[sflag:s26] =	ssyncadd.s32 $0xFFFFE000  }
0xe3: {  	[hbm4b:s29+s3] =	stream.linear.scatter [tilespmem:s28], [sflag:$0xE], $0x2000, $0x38;
	[tilespmem:$0x15900] =	vst v63  }
0xe4: {  	_ =	swait.ge [sflag:s31], $0x2000  }
0xe5: {  	[sflag:s31] =	ssyncset.done $0x0  }
0xe6: {  	s22 =	simm.s32 $0x6;
	s0 =	rddreg [dreg:$0x9];
	[sflag:s31] =	ssyncadd.s32 $0xFFFFE000  }
0xe7: {  	[hbm4b:s0+s3] =	stream.linear.scatter [tilespmem:s30], [sflag:$0xF], $0x2000, $0x38;
	[tilespmem:$0x15900] =	vst v63  }
0xe8: {  	_ =	swait.ge [sflag:s22], $0x2000  }
0xe9: {  	[sflag:s22] =	ssyncset.done $0x0  }
0xea: {  	s23 =	rddreg [dreg:$0xa];
	[sflag:s22] =	ssyncadd.s32 $0xFFFFE000  }
0xeb: {  	[hbm4b:s23+s3] =	stream.linear.scatter [tilespmem:s2], [sflag:$0x10], $0x2000, $0x38;
	[tilespmem:$0x15900] =	vst v63  }
0xec: {  	_ =	swait.ge [sflag:s6], $0x2000  }
0xed: {  	[sflag:s6] =	ssyncset.done $0x0  }
0xee: {  	s24 =	rddreg [dreg:$0xb];
	[sflag:s6] =	ssyncadd.s32 $0xFFFFE000  }
0xef: {  	[hbm4b:s24+s3] =	stream.linear.scatter [tilespmem:s21], [sflag:$0x11], $0x2000, $0x38;
	[tilespmem:$0x15900] =	vst v63  }
0xf0: {  	_ =	swait.ge [sflag:s7], $0x2000  }
0xf1: {  	[sflag:s7] =	ssyncset.done $0x0  }
0xf2: {  	s26 =	rddreg [dreg:$0xc];
	[sflag:s7] =	ssyncadd.s32 $0xFFFFE000  }
0xf3: {  	[hbm4b:s26+s3] =	stream.linear.scatter [tilespmem:s25], [sflag:$0x12], $0x2000, $0x38;
	[tilespmem:$0x15900] =	vst v63  }
0xf4: {  	_ =	swait.ge [sflag:s8], $0x2000  }
0xf5: {  	[sflag:s8] =	ssyncset.done $0x0  }
0xf6: {  	s28 =	rddreg [dreg:$0xd];
	[sflag:s8] =	ssyncadd.s32 $0xFFFFE000  }
0xf7: {  	[hbm4b:s28+s3] =	stream.linear.scatter [tilespmem:s4], [sflag:$0x13], $0x2000, $0x38;
	[tilespmem:$0x15900] =	vst v63  }
0xf8: {  	_ =	swait.ge [sflag:s9], $0x2000  }
0xf9: {  	[sflag:s9] =	ssyncset.done $0x0  }
0xfa: {  	s29 =	rddreg [dreg:$0xe];
	[sflag:s9] =	ssyncadd.s32 $0xFFFFE000  }
0xfb: {  	[hbm4b:s29+s3] =	stream.linear.scatter [tilespmem:s5], [sflag:$0x14], $0x2000, $0x38;
	[tilespmem:$0x15900] =	vst v63  }
0xfc: {  	_ =	swait.ge [sflag:s10], $0x2000  }
0xfd: {  	[sflag:s10] =	ssyncset.done $0x0  }
0xfe: {  	[sflag:s10] =	ssyncadd.s32 $0xFFFFE000  }
0xff: {  	_ =	swait.ge [sflag:s11], $0x2000  }
0x100: {  	[sflag:s11] =	ssyncset.done $0x0  }
0x101: {  	[sflag:s11] =	ssyncadd.s32 $0xFFFFE000  }
0x102: {  	_ =	swait.ge [sflag:s12], $0x2000  }
0x103: {  	[sflag:s12] =	ssyncset.done $0x0  }
0x104: {  	[sflag:s12] =	ssyncadd.s32 $0xFFFFE000  }
0x105: {  	_ =	swait.ge [sflag:s13], $0x2000  }
0x106: {  	[sflag:s13] =	ssyncset.done $0x0  }
0x107: {  	[sflag:s13] =	ssyncadd.s32 $0xFFFFE000  }
0x108: {  	_ =	swait.ge [sflag:s14], $0x2000  }
0x109: {  	[sflag:s14] =	ssyncset.done $0x0  }
0x10a: {  	[sflag:s14] =	ssyncadd.s32 $0xFFFFE000  }
0x10b: {  	_ =	swait.ge [sflag:s15], $0x2000  }
0x10c: {  	[sflag:s15] =	ssyncset.done $0x0  }
0x10d: {  	[sflag:s15] =	ssyncadd.s32 $0xFFFFE000  }
0x10e: {  	_ =	swait.ge [sflag:s17], $0x2000  }
0x10f: {  	[sflag:s17] =	ssyncset.done $0x0  }
0x110: {  	[sflag:s17] =	ssyncadd.s32 $0xFFFFE000  }
0x111: {  	_ =	swait.ge [sflag:s16], $0x2000  }
0x112: {  	[sflag:s16] =	ssyncset.done $0x0  }
0x113: {  	[sflag:s16] =	ssyncadd.s32 $0xFFFFE000  }
0x114: {  	_ =	swait.ge [sflag:s19], $0x2000  }
0x115: {  	[sflag:s19] =	ssyncset.done $0x0  }
0x116: {  	[sflag:s19] =	ssyncadd.s32 $0xFFFFE000  }
0x117: {  	_ =	swait.ge [sflag:s20], $0x2000  }
0x118: {  	s30 =	rddreg [dreg:$0x11]  }
0x119: {  	s31 =	rddreg [dreg:$0xf];
	s0 =	sadd.s32 $0x1, s30  }
0x11a: {  	p0 =	sne.s32 s0, s31  }
.Ltmp1:
0x11b: {  	_ = 	snop;
	(pc) =	sbr.rel @p0 .LBB2_1-.Ltmp1, $3  }
0x11c: {  	_ =	sdelay $0x1  }
0x11d: {  	[sflag:s20] =	ssyncset.done $0x0  }
0x11e: {  	[sflag:s20] =	ssyncadd.s32 $0xFFFFE000  }
0x11f: {  	_ =	sfence.sel $0x180000  }
0x120: {  	[bflag:$0x0] =	sbarrier.arrive $0xFFFF  }
0x121: {  	_ =	strace $0x90000047  }
0x122: {  	s0 =	stileid.u32;
	[bflag:$0x2] =	sbarrier.arrive $0xFFFF  }
0x123: {  	p0 =	sne.s32 s0, $0x0;
	s0 =	rddreg [dreg:$0x3]  }
0x124: {  	s0 =	sadd.s32 @!p0 $0x100000, s0  }
0x125: {  	[sflag:s0] =	ssyncadd.tile.s32 @!p0 $0x1;
	_ =	shalt  }
.Lfunc_end2:
_tile_overlayer_lowered:
.L_overlay_start_2:
0x126: {  	(tag) =	ssettag $0x2  }
0x127: {  	s0 =	rddreg [dreg:$0x0];
	s2 =	stileid.u32  }
0x128: {  	s1 =	rddreg [dreg:$0x1];
	p0 =	sne.s32 s2, $0x0  }
0x129: {  	s3 =	rddreg [dreg:$0x2];
	[bflag:$0x3] =	sbarrier.arrive $0xFFFF;
	s2 =	simm.s32 @!p0 $0x1C15  }
0x12a: {  	[timem:s3], [sflag:s2] =	dma.local @!p0 [hbm:s0], s1  }
0x12b: {  	s0 =	simm.s32 @!p0 $0x15  }
0x12c: {  	_ =	swait.ge @!p0 [sflag:s0], s1  }
0x12d: {  	s1 =	ssub.s32 @!p0 $0x0, s1;
	[sflag:s0] =	ssyncset.done @!p0 $0x0  }
0x12e: {  	[sflag:s0] =	ssyncadd.s32 @!p0 s1  }
0x12f: {  	[bflag:$0x3] =	sbarrier.arrive $0xFFFF  }
0x130: {  	_ =	shalt  }

</sc_bundles>
